<compile_context>
chip_gen: v7x
topology: tpu7x:2x2x1
jax: 0.10.2.dev20260603
libtpu: 0.0.44.dev20260713+nightly
codegen_flags: <defaults>
</compile_context>

<pallas_src>
import functools

import jax
import jax.numpy as jnp
from jax.experimental import pallas as pl
from jax.experimental.pallas import tpu as pltpu
from jax.experimental.pallas import tpu_sc as plsc

N = 10000
E = 320000
F = 128
EDIM = 16
H = 32

NC = 2
NS = 16
NW = NC * NS
CHUNK = 125
NCH = E // CHUNK
CPT = NCH // NW
NQT = 8
QCH = (E // 4) // CHUNK
QPT = QCH // NQT

_SC_MESH = plsc.VectorSubcoreMesh(core_axis_name="c", subcore_axis_name="s")
_SC_PARAMS = pltpu.CompilerParams(needs_layout_passes=False,
                                  use_tc_tiling_on_sc=False)


def _node_mlp_kernel(x_ref, w1a_ref, b1_ref, u_ref):
    u_ref[...] = jnp.dot(x_ref[...], w1a_ref[...],
                         preferred_element_type=jnp.float32) + b1_ref[...]


def _edge_mlp_kernel(g4_ref, ea4_ref, w1bd_ref, w2k_ref, b2_ref,
                     m0_ref, m1_ref, m2_ref, m3_ref):
    pre = jnp.dot(ea4_ref[...], w1bd_ref[...],
                  preferred_element_type=jnp.float32)
    h4 = jax.nn.relu(g4_ref[...] + pre)
    outs = (m0_ref, m1_ref, m2_ref, m3_ref)
    for k in range(4):
        mk = jnp.dot(h4, w2k_ref[k], preferred_element_type=jnp.float32)
        outs[k][...] = jax.nn.relu(mk + b2_ref[...])


def _combine_kernel(p_ref, cnt_ref, x_ref, o_ref):
    cnt = jnp.sum(cnt_ref[...], axis=0)
    s = p_ref[0] + p_ref[1]
    inv = 1.0 / jnp.maximum(cnt, 1.0)
    o_ref[...] = s * inv.reshape(-1, 1) + x_ref[...]


def _gather_cnt_body(u_hbm, dstg_hbm, g_hbm, cnt_hbm,
                     idx_v, gb0, gb1, gb2, gb3, cnt_v,
                     sem0, sem1, sem2, sem3):
    c = jax.lax.axis_index("c")
    s = jax.lax.axis_index("s")
    wid = s * NC + c
    base = wid * CPT

    pltpu.sync_copy(dstg_hbm.at[pl.ds(base, CPT)], idx_v)

    def start(j, gb, sem):
        return pltpu.async_copy(u_hbm.at[idx_v.at[j, 0]], gb, sem)

    def flush(j, gb):
        pltpu.sync_copy(gb, g_hbm.at[pl.ds((base + j) * CHUNK, CHUNK)])

    gbs = (gb0, gb1, gb2, gb3)
    sems = (sem0, sem1, sem2, sem3)
    for j in range(3):
        start(j, gbs[j], sems[j])

    @pl.loop(0, CPT // 4)
    def _quad(i):
        j4 = 4 * i
        for r in range(4):
            pltpu.make_async_copy(u_hbm.at[pl.ds(0, CHUNK)], gbs[r],
                                  sems[r]).wait()

            @pl.when(j4 + r + 3 < CPT)
            def _more(r=r):
                start(j4 + r + 3, gbs[(r + 3) % 4], sems[(r + 3) % 4])

            flush(j4 + r, gbs[r])

    @pl.loop(0, N, step=16)
    def _zero(i):
        cnt_v[pl.ds(i, 16)] = jnp.zeros((16,), jnp.float32)

    ones = jnp.ones((16,), jnp.float32)
    tail_mask = jax.lax.iota(jnp.int32, 16) >= (16 - (CHUNK % 16))

    @pl.loop(0, CPT)
    def _hist(j):
        @pl.loop(0, CHUNK - 16, step=16)
        def _full(i):
            idx = idx_v[j, 0, pl.ds(i, 16)]
            plsc.addupdate_scatter(cnt_v, [idx], ones)

        idx = idx_v[j, 0, pl.ds(CHUNK - 16, 16)]
        plsc.addupdate_scatter(cnt_v, [idx], ones, mask=tail_mask)

    pltpu.sync_copy(cnt_v, cnt_hbm.at[wid, 0])


def _scatter_body(m0_hbm, m1_hbm, m2_hbm, m3_hbm, dst4_hbm, p_hbm,
                  idx_v, mb0, mb1, acc_sh, sem0, sem1):
    c = jax.lax.axis_index("c")
    s = jax.lax.axis_index("s")
    wid = s * NC + c
    q = wid // NQT
    t = wid % NQT

    @pl.loop(0, CHUNK)
    def _zr(i):
        @pl.loop(0, F, step=16)
        def _zc(j):
            mb0[i, pl.ds(j, 16)] = jnp.zeros((16,), jnp.float32)

    @pl.loop(0, N // NS, step=CHUNK)
    def _zacc(r):
        pltpu.sync_copy(mb0, acc_sh.at[pl.ds(s * (N // NS) + r, CHUNK)])

    plsc.subcore_barrier()

    pltpu.async_copy(dst4_hbm.at[q, pl.ds(t * QPT, QPT)], idx_v, sem0).wait()

    for k, mk_hbm in enumerate((m0_hbm, m1_hbm, m2_hbm, m3_hbm)):
        @pl.when(q == k)
        def _quarter(mk_hbm=mk_hbm):
            def start(j, mb, sem):
                pltpu.async_copy(
                    mk_hbm.at[pl.ds((t * QPT + j) * CHUNK, CHUNK)], mb, sem)

            def scat(j, mb):
                pltpu.sync_copy(mb, acc_sh.at[idx_v.at[j]], add=True)

            start(0, mb0, sem0)

            @pl.loop(0, QPT // 2)
            def _pair(i):
                j = 2 * i
                pltpu.make_async_copy(mk_hbm.at[pl.ds(0, CHUNK)], mb0,
                                      sem0).wait()
                start(j + 1, mb1, sem1)
                scat(j, mb0)
                pltpu.make_async_copy(mk_hbm.at[pl.ds(0, CHUNK)], mb1,
                                      sem1).wait()

                @pl.when(j + 2 < QPT)
                def _more():
                    start(j + 2, mb0, sem0)

                scat(j + 1, mb1)

    plsc.subcore_barrier()

    pltpu.sync_copy(acc_sh.at[pl.ds(s * (N // NS), N // NS)],
                    p_hbm.at[c, pl.ds(s * (N // NS), N // NS)])


@functools.partial(
    pl.kernel,
    out_type=[jax.ShapeDtypeStruct((E, H), jnp.float32),
              jax.ShapeDtypeStruct((NW, 1, N), jnp.float32)],
    mesh=_SC_MESH,
    compiler_params=_SC_PARAMS,
    scratch_types=[
        pltpu.VMEM((CPT, 1, CHUNK), jnp.int32),
        pltpu.VMEM((CHUNK, H), jnp.float32),
        pltpu.VMEM((CHUNK, H), jnp.float32),
        pltpu.VMEM((CHUNK, H), jnp.float32),
        pltpu.VMEM((CHUNK, H), jnp.float32),
        pltpu.VMEM((N,), jnp.float32),
        pltpu.SemaphoreType.DMA,
        pltpu.SemaphoreType.DMA,
        pltpu.SemaphoreType.DMA,
        pltpu.SemaphoreType.DMA,
    ],
)
def _gather_cnt(u_hbm, dstg_hbm, g_hbm, cnt_hbm,
                idx_v, gb0, gb1, gb2, gb3, cnt_v, sem0, sem1, sem2, sem3):
    _gather_cnt_body(u_hbm, dstg_hbm, g_hbm, cnt_hbm,
                     idx_v, gb0, gb1, gb2, gb3, cnt_v,
                     sem0, sem1, sem2, sem3)


@functools.partial(
    pl.kernel,
    out_type=jax.ShapeDtypeStruct((NC, N, F), jnp.float32),
    mesh=_SC_MESH,
    compiler_params=_SC_PARAMS,
    scratch_types=[
        pltpu.VMEM((QPT, CHUNK), jnp.int32),
        pltpu.VMEM((CHUNK, F), jnp.float32),
        pltpu.VMEM((CHUNK, F), jnp.float32),
        pltpu.VMEM_SHARED((N, F), jnp.float32),
        pltpu.SemaphoreType.DMA,
        pltpu.SemaphoreType.DMA,
    ],
)
def _scatter(m0_hbm, m1_hbm, m2_hbm, m3_hbm, dst4_hbm, p_hbm,
             idx_v, mb0, mb1, acc_sh, sem0, sem1):
    _scatter_body(m0_hbm, m1_hbm, m2_hbm, m3_hbm, dst4_hbm, p_hbm,
                  idx_v, mb0, mb1, acc_sh, sem0, sem1)


def kernel(x, edge_index, edge_attr, W1, b1, W2, b2):
    dst = edge_index[1]
    w1a = W1[:F]
    w1b = W1[F:]
    w1bd = jax.scipy.linalg.block_diag(w1b, w1b, w1b, w1b)
    w2k = jnp.stack([jnp.pad(W2, ((k * H, F - H - k * H), (0, 0)))
                     for k in range(4)])

    u = pl.pallas_call(
        _node_mlp_kernel,
        out_shape=jax.ShapeDtypeStruct((N, H), jnp.float32),
    )(x, w1a, b1)

    g, cnt3 = _gather_cnt(u, dst.reshape(NCH, 1, CHUNK))

    E4 = E // 4
    B4 = 1000
    mq = pl.pallas_call(
        _edge_mlp_kernel,
        grid=(E4 // B4,),
        in_specs=[
            pl.BlockSpec((B4, F), lambda i: (i, 0)),
            pl.BlockSpec((B4, 4 * EDIM), lambda i: (i, 0)),
            pl.BlockSpec((4 * EDIM, F), lambda i: (0, 0)),
            pl.BlockSpec((4, F, F), lambda i: (0, 0, 0)),
            pl.BlockSpec((1, F), lambda i: (0, 0)),
        ],
        out_specs=[pl.BlockSpec((B4, F), lambda i: (i, 0))] * 4,
        out_shape=[jax.ShapeDtypeStruct((E4, F), jnp.float32)] * 4,
    )(g.reshape(E4, F), edge_attr.reshape(E4, 4 * EDIM), w1bd, w2k,
      b2.reshape(1, F))

    dst4 = jnp.stack([dst[k::4] for k in range(4)]).reshape(4, QCH, CHUNK)
    partials = _scatter(*mq, dst4)

    out = pl.pallas_call(
        _combine_kernel,
        out_shape=jax.ShapeDtypeStruct((N, F), jnp.float32),
    )(partials, cnt3.reshape(NW, N), x)
    return out

# --- scband reference (transcript-rebuilt; emitter-appended) ---
"""Pipeline reference for scband-block-29360396436026 (READ-ONLY COPY).

The authoritative reference and input builder live on the scoring server;
editing this copy changes nothing except your own understanding.
"""

import jax, jax.numpy as jnp
import numpy as np

N = 10000
E = 320000
F = 128
EDIM = 16
H = 32

def setup_inputs(seed: int = 0) -> dict:
    key = jax.random.key(seed)
    k1, k2, k3, k4, k5 = jax.random.split(key, 5)
    x = jax.random.normal(k1, (N, F), dtype=jnp.float32)
    edge_index = jax.random.randint(k2, (2, E), 0, N, dtype=jnp.int32)
    edge_attr = jax.random.normal(k3, (E, EDIM), dtype=jnp.float32)
    # encoder_nn params: Linear(F+EDIM -> H), ReLU, Dropout(eval=identity), Linear(H -> F), ReLU
    W1 = jax.random.normal(k4, (F + EDIM, H), dtype=jnp.float32) * (1.0 / np.sqrt(F + EDIM))
    b1 = jnp.zeros((H,), dtype=jnp.float32)
    W2 = jax.random.normal(k5, (H, F), dtype=jnp.float32) * (1.0 / np.sqrt(H))
    b2 = jnp.zeros((F,), dtype=jnp.float32)
    return {"x": x, "edge_index": edge_index, "edge_attr": edge_attr, "W1": W1, "b1": b1, "W2": W2, "b2": b2}

def reference(x, edge_index, edge_attr, W1, b1, W2, b2):
    # PyG convention (flow='source_to_target'): edge_index[0]=src (j), edge_index[1]=dst (i)
    src = edge_index[0]
    dst = edge_index[1]
    x_i = jnp.take(x, dst, axis=0)                    # target node feats per edge [E, F]
    msg_in = jnp.concatenate([x_i, edge_attr], axis=-1)  # [E, F+EDIM]
    h = jax.nn.relu(msg_in @ W1 + b1)                 # dropout is identity in eval
    m = jax.nn.relu(h @ W2 + b2)                      # [E, F]
    sums = jax.ops.segment_sum(m, dst, num_segments=N)
    cnt = jax.ops.segment_sum(jnp.ones((E,), jnp.float32), dst, num_segments=N)
    mean = sums / jnp.clip(cnt, 1.0)[:, None]         # scatter-mean aggregation
    # residual is Identity since node_in_dim == node_out_dim
    return mean + x

if __name__ == "__main__":
    import jax
    _d = setup_inputs()
    print(jax.jit(kernel)(*tuple(_d.values())))

</pallas_src>

<mosaic_0001>
#map = affine_map<(d0, d1) -> (0, 0)>
#map1 = affine_map<(d0, d1) -> (0, 0, 0)>
module attributes {stable_mosaic.version = 14 : i64} {
  func.func @_gather_cnt(%arg0: i32, %arg1: i32, %arg2: memref<10000x32xf32, #tpu.memory_space<hbm>>, %arg3: memref<2560x1x125xi32, #tpu.memory_space<hbm>>, %arg4: memref<320000x32xf32, #tpu.memory_space<hbm>>, %arg5: memref<32x1x10000xf32, #tpu.memory_space<hbm>>, %arg6: memref<80x1x125xi32, #tpu.memory_space<vmem>>, %arg7: memref<125x32xf32, #tpu.memory_space<vmem>>, %arg8: memref<125x32xf32, #tpu.memory_space<vmem>>, %arg9: memref<125x32xf32, #tpu.memory_space<vmem>>, %arg10: memref<125x32xf32, #tpu.memory_space<vmem>>, %arg11: memref<10000xf32, #tpu.memory_space<vmem>>, %arg12: memref<!tpu.dma_semaphore, #tpu.memory_space<semaphore_mem>>, %arg13: memref<!tpu.dma_semaphore, #tpu.memory_space<semaphore_mem>>, %arg14: memref<!tpu.dma_semaphore, #tpu.memory_space<semaphore_mem>>, %arg15: memref<!tpu.dma_semaphore, #tpu.memory_space<semaphore_mem>>) attributes {dimension_semantics = [#tpu.dimension_semantics<core_parallel>, #tpu.dimension_semantics<subcore_parallel>], iteration_bounds = array<i64: 2, 16>, scalar_prefetch = 0 : i64, scratch_operands = 10 : i64, tpu.core_type = #tpu.core_type<sc_vector_subcore>, window_params = [{transform_indices = #map}, {transform_indices = #map1}, {transform_indices = #map}, {transform_indices = #map1}]} {
    %mul3A = arith.constant 2 : i32
    %mul3A_0 = arith.muli %arg1, %mul3A : i32
    %add3A = arith.addi %mul3A_0, %arg0 : i32
    %mul3A_1 = arith.constant 80 : i32
    %mul3A_2 = arith.muli %add3A, %mul3A_1 : i32
    "tpu.region"() ({
      %run_scoped3A_43 = tpu.sem_alloc : memref<!tpu.dma_semaphore, #tpu.memory_space<semaphore_mem>>
      %dma_start3A_44 = arith.constant 0 : i32
      %dma_start3A_45 = arith.constant 0 : i32
      %dma_start3A_46 = tpu.memref_slice %arg3[%mul3A_2, %dma_start3A_44, %dma_start3A_45] : memref<2560x1x125xi32, #tpu.memory_space<hbm>> -> memref<80x1x125xi32, #tpu.memory_space<hbm>>
      %dma_start3A_47 = arith.constant 0 : i32
      %dma_start3A_48 = arith.constant 0 : i32
      %dma_start3A_49 = tpu.memref_slice %arg3[%mul3A_2, %dma_start3A_47, %dma_start3A_48] : memref<2560x1x125xi32, #tpu.memory_space<hbm>> -> memref<80x1x125xi32, #tpu.memory_space<hbm>>
      tpu.enqueue_dma source(%dma_start3A_49 : memref<80x1x125xi32, #tpu.memory_space<hbm>>) target(%arg6 : memref<80x1x125xi32, #tpu.memory_space<vmem>>) target_semaphore(%run_scoped3A_43 : memref<!tpu.dma_semaphore, #tpu.memory_space<semaphore_mem>>)
      %dma_wait3A = arith.constant 0 : i32
      %dma_wait3A_50 = arith.constant 0 : i32
      %dma_wait3A_51 = tpu.memref_slice %arg3[%mul3A_2, %dma_wait3A, %dma_wait3A_50] : memref<2560x1x125xi32, #tpu.memory_space<hbm>> -> memref<80x1x125xi32, #tpu.memory_space<hbm>>
      %dma_wait3A_52 = arith.constant 0 : i32
      %dma_wait3A_53 = arith.constant 0 : i32
      %dma_wait3A_54 = tpu.memref_slice %arg3[%mul3A_2, %dma_wait3A_52, %dma_wait3A_53] : memref<2560x1x125xi32, #tpu.memory_space<hbm>> -> memref<80x1x125xi32, #tpu.memory_space<hbm>>
      tpu.wait_dma2 semaphore(%run_scoped3A_43 : memref<!tpu.dma_semaphore, #tpu.memory_space<semaphore_mem>>) src(%dma_wait3A_54 : memref<80x1x125xi32, #tpu.memory_space<hbm>>) dst(%arg6 : memref<80x1x125xi32, #tpu.memory_space<vmem>>)
      tpu.yield
    }) : () -> ()
    %dma_start3A = arith.constant 0 : i32
    %dma_start3A_3 = arith.constant 0 : i32
    %dma_start3A_4 = arith.constant 0 : i32
    %dma_start3A_5 = tpu.memref_slice %arg6[%dma_start3A, %dma_start3A_3, %dma_start3A_4] : memref<80x1x125xi32, #tpu.memory_space<vmem>> -> memref<1x1x125xi32, #tpu.memory_space<vmem>>
    %dma_start3A_6 = tpu.memref_squeeze %dma_start3A_5 : memref<1x1x125xi32, #tpu.memory_space<vmem>> -> memref<125xi32, #tpu.memory_space<vmem>>
    %dma_start3A_7 = arith.constant 0 : i32
    %dma_start3A_8 = arith.constant 0 : i32
    %dma_start3A_9 = tpu.memref_slice %arg2[%dma_start3A_7, %dma_start3A_8] : memref<10000x32xf32, #tpu.memory_space<hbm>> -> memref<10000x32xf32, #tpu.memory_space<hbm>>
    tpu.enqueue_indirect_dma source(%dma_start3A_9 : memref<10000x32xf32, #tpu.memory_space<hbm>>) target(%arg7 : memref<125x32xf32, #tpu.memory_space<vmem>>) offsets(%dma_start3A_6 : memref<125xi32, #tpu.memory_space<vmem>>) semaphore(%arg12 : memref<!tpu.dma_semaphore, #tpu.memory_space<semaphore_mem>>)
    %dma_start3A_10 = arith.constant 1 : i32
    %dma_start3A_11 = arith.constant 0 : i32
    %dma_start3A_12 = arith.constant 0 : i32
    %dma_start3A_13 = tpu.memref_slice %arg6[%dma_start3A_10, %dma_start3A_11, %dma_start3A_12] : memref<80x1x125xi32, #tpu.memory_space<vmem>> -> memref<1x1x125xi32, #tpu.memory_space<vmem>>
    %dma_start3A_14 = tpu.memref_squeeze %dma_start3A_13 : memref<1x1x125xi32, #tpu.memory_space<vmem>> -> memref<125xi32, #tpu.memory_space<vmem>>
    %dma_start3A_15 = arith.constant 0 : i32
    %dma_start3A_16 = arith.constant 0 : i32
    %dma_start3A_17 = tpu.memref_slice %arg2[%dma_start3A_15, %dma_start3A_16] : memref<10000x32xf32, #tpu.memory_space<hbm>> -> memref<10000x32xf32, #tpu.memory_space<hbm>>
    tpu.enqueue_indirect_dma source(%dma_start3A_17 : memref<10000x32xf32, #tpu.memory_space<hbm>>) target(%arg8 : memref<125x32xf32, #tpu.memory_space<vmem>>) offsets(%dma_start3A_14 : memref<125xi32, #tpu.memory_space<vmem>>) semaphore(%arg13 : memref<!tpu.dma_semaphore, #tpu.memory_space<semaphore_mem>>)
    %dma_start3A_18 = arith.constant 2 : i32
    %dma_start3A_19 = arith.constant 0 : i32
    %dma_start3A_20 = arith.constant 0 : i32
    %dma_start3A_21 = tpu.memref_slice %arg6[%dma_start3A_18, %dma_start3A_19, %dma_start3A_20] : memref<80x1x125xi32, #tpu.memory_space<vmem>> -> memref<1x1x125xi32, #tpu.memory_space<vmem>>
    %dma_start3A_22 = tpu.memref_squeeze %dma_start3A_21 : memref<1x1x125xi32, #tpu.memory_space<vmem>> -> memref<125xi32, #tpu.memory_space<vmem>>
    %dma_start3A_23 = arith.constant 0 : i32
    %dma_start3A_24 = arith.constant 0 : i32
    %dma_start3A_25 = tpu.memref_slice %arg2[%dma_start3A_23, %dma_start3A_24] : memref<10000x32xf32, #tpu.memory_space<hbm>> -> memref<10000x32xf32, #tpu.memory_space<hbm>>
    tpu.enqueue_indirect_dma source(%dma_start3A_25 : memref<10000x32xf32, #tpu.memory_space<hbm>>) target(%arg9 : memref<125x32xf32, #tpu.memory_space<vmem>>) offsets(%dma_start3A_22 : memref<125xi32, #tpu.memory_space<vmem>>) semaphore(%arg14 : memref<!tpu.dma_semaphore, #tpu.memory_space<semaphore_mem>>)
    %scan3A = arith.constant 0 : i32
    %scan3A_26 = arith.constant 20 : i32
    %scan3A_27 = arith.addi %scan3A, %scan3A_26 : i32
    %scan3A_28 = arith.constant 1 : i32
    scf.for %scan3A_43 = %scan3A to %scan3A_27 step %scan3A_28  : i32 {
      %mul3A_44 = arith.constant 1 : i32
      %mul3A_45 = arith.muli %scan3A_43, %mul3A_44 : i32
      %add3A_46 = arith.constant 0 : i32
      %add3A_47 = arith.addi %add3A_46, %mul3A_45 : i32
      %mul3A_48 = arith.constant 4 : i32
      %mul3A_49 = arith.muli %mul3A_48, %add3A_47 : i32
      %dma_wait3A = arith.constant 0 : i32
      %dma_wait3A_50 = arith.constant 0 : i32
      %dma_wait3A_51 = tpu.memref_slice %arg2[%dma_wait3A, %dma_wait3A_50] : memref<10000x32xf32, #tpu.memory_space<hbm>> -> memref<125x32xf32, #tpu.memory_space<hbm>>
      %dma_wait3A_52 = arith.constant 0 : i32
      %dma_wait3A_53 = arith.constant 0 : i32
      %dma_wait3A_54 = tpu.memref_slice %arg2[%dma_wait3A_52, %dma_wait3A_53] : memref<10000x32xf32, #tpu.memory_space<hbm>> -> memref<125x32xf32, #tpu.memory_space<hbm>>
      tpu.wait_dma2 semaphore(%arg12 : memref<!tpu.dma_semaphore, #tpu.memory_space<semaphore_mem>>) src(%dma_wait3A_54 : memref<125x32xf32, #tpu.memory_space<hbm>>) dst(%arg7 : memref<125x32xf32, #tpu.memory_space<vmem>>)
      %add3A_55 = arith.constant 0 : i32
      %add3A_56 = arith.addi %mul3A_49, %add3A_55 : i32
      %add3A_57 = arith.constant 3 : i32
      %add3A_58 = arith.addi %add3A_56, %add3A_57 : i32
      %lt3A = arith.constant 80 : i32
      %lt3A_59 = arith.cmpi slt, %add3A_58, %lt3A : i32
      %convert_element_type3A = arith.extui %lt3A_59 : i1 to i32
      %cond3A = arith.constant 0 : i32
      %cond3A_60 = arith.cmpi ne, %convert_element_type3A, %cond3A : i32
      scf.if %cond3A_60 {
        %add3A_126 = arith.constant 0 : i32
        %add3A_127 = arith.addi %mul3A_49, %add3A_126 : i32
        %add3A_128 = arith.constant 3 : i32
        %add3A_129 = arith.addi %add3A_127, %add3A_128 : i32
        %dma_start3A_130 = arith.constant 0 : i32
        %dma_start3A_131 = arith.constant 0 : i32
        %dma_start3A_132 = tpu.memref_slice %arg6[%add3A_129, %dma_start3A_130, %dma_start3A_131] : memref<80x1x125xi32, #tpu.memory_space<vmem>> -> memref<1x1x125xi32, #tpu.memory_space<vmem>>
        %dma_start3A_133 = tpu.memref_squeeze %dma_start3A_132 : memref<1x1x125xi32, #tpu.memory_space<vmem>> -> memref<125xi32, #tpu.memory_space<vmem>>
        %dma_start3A_134 = arith.constant 0 : i32
        %dma_start3A_135 = arith.constant 0 : i32
        %dma_start3A_136 = tpu.memref_slice %arg2[%dma_start3A_134, %dma_start3A_135] : memref<10000x32xf32, #tpu.memory_space<hbm>> -> memref<10000x32xf32, #tpu.memory_space<hbm>>
        tpu.enqueue_indirect_dma source(%dma_start3A_136 : memref<10000x32xf32, #tpu.memory_space<hbm>>) target(%arg10 : memref<125x32xf32, #tpu.memory_space<vmem>>) offsets(%dma_start3A_133 : memref<125xi32, #tpu.memory_space<vmem>>) semaphore(%arg15 : memref<!tpu.dma_semaphore, #tpu.memory_space<semaphore_mem>>)
      } else {
      }
      %add3A_61 = arith.constant 0 : i32
      %add3A_62 = arith.addi %mul3A_49, %add3A_61 : i32
      %add3A_63 = arith.addi %mul3A_2, %add3A_62 : i32
      %mul3A_64 = arith.constant 125 : i32
      %mul3A_65 = arith.muli %add3A_63, %mul3A_64 : i32
      "tpu.region"() ({
        %run_scoped3A_126 = tpu.sem_alloc : memref<!tpu.dma_semaphore, #tpu.memory_space<semaphore_mem>>
        %dma_start3A_127 = arith.constant 0 : i32
        %dma_start3A_128 = tpu.memref_slice %arg4[%mul3A_65, %dma_start3A_127] : memref<320000x32xf32, #tpu.memory_space<hbm>> -> memref<125x32xf32, #tpu.memory_space<hbm>>
        %dma_start3A_129 = arith.constant 0 : i32
        %dma_start3A_130 = tpu.memref_slice %arg4[%mul3A_65, %dma_start3A_129] : memref<320000x32xf32, #tpu.memory_space<hbm>> -> memref<125x32xf32, #tpu.memory_space<hbm>>
        tpu.enqueue_dma source(%arg7 : memref<125x32xf32, #tpu.memory_space<vmem>>) target(%dma_start3A_130 : memref<125x32xf32, #tpu.memory_space<hbm>>) target_semaphore(%run_scoped3A_126 : memref<!tpu.dma_semaphore, #tpu.memory_space<semaphore_mem>>)
        %dma_wait3A_131 = arith.constant 0 : i32
        %dma_wait3A_132 = tpu.memref_slice %arg4[%mul3A_65, %dma_wait3A_131] : memref<320000x32xf32, #tpu.memory_space<hbm>> -> memref<125x32xf32, #tpu.memory_space<hbm>>
        %dma_wait3A_133 = arith.constant 0 : i32
        %dma_wait3A_134 = tpu.memref_slice %arg4[%mul3A_65, %dma_wait3A_133] : memref<320000x32xf32, #tpu.memory_space<hbm>> -> memref<125x32xf32, #tpu.memory_space<hbm>>
        tpu.wait_dma2 semaphore(%run_scoped3A_126 : memref<!tpu.dma_semaphore, #tpu.memory_space<semaphore_mem>>) src(%arg7 : memref<125x32xf32, #tpu.memory_space<vmem>>) dst(%dma_wait3A_134 : memref<125x32xf32, #tpu.memory_space<hbm>>)
        tpu.yield
      }) : () -> ()
      %dma_wait3A_66 = arith.constant 0 : i32
      %dma_wait3A_67 = arith.constant 0 : i32
      %dma_wait3A_68 = tpu.memref_slice %arg2[%dma_wait3A_66, %dma_wait3A_67] : memref<10000x32xf32, #tpu.memory_space<hbm>> -> memref<125x32xf32, #tpu.memory_space<hbm>>
      %dma_wait3A_69 = arith.constant 0 : i32
      %dma_wait3A_70 = arith.constant 0 : i32
      %dma_wait3A_71 = tpu.memref_slice %arg2[%dma_wait3A_69, %dma_wait3A_70] : memref<10000x32xf32, #tpu.memory_space<hbm>> -> memref<125x32xf32, #tpu.memory_space<hbm>>
      tpu.wait_dma2 semaphore(%arg13 : memref<!tpu.dma_semaphore, #tpu.memory_space<semaphore_mem>>) src(%dma_wait3A_71 : memref<125x32xf32, #tpu.memory_space<hbm>>) dst(%arg8 : memref<125x32xf32, #tpu.memory_space<vmem>>)
      %add3A_72 = arith.constant 1 : i32
      %add3A_73 = arith.addi %mul3A_49, %add3A_72 : i32
      %add3A_74 = arith.constant 3 : i32
      %add3A_75 = arith.addi %add3A_73, %add3A_74 : i32
      %lt3A_76 = arith.constant 80 : i32
      %lt3A_77 = arith.cmpi slt, %add3A_75, %lt3A_76 : i32
      %convert_element_type3A_78 = arith.extui %lt3A_77 : i1 to i32
      %cond3A_79 = arith.constant 0 : i32
      %cond3A_80 = arith.cmpi ne, %convert_element_type3A_78, %cond3A_79 : i32
      scf.if %cond3A_80 {
        %add3A_126 = arith.constant 1 : i32
        %add3A_127 = arith.addi %mul3A_49, %add3A_126 : i32
        %add3A_128 = arith.constant 3 : i32
        %add3A_129 = arith.addi %add3A_127, %add3A_128 : i32
        %dma_start3A_130 = arith.constant 0 : i32
        %dma_start3A_131 = arith.constant 0 : i32
        %dma_start3A_132 = tpu.memref_slice %arg6[%add3A_129, %dma_start3A_130, %dma_start3A_131] : memref<80x1x125xi32, #tpu.memory_space<vmem>> -> memref<1x1x125xi32, #tpu.memory_space<vmem>>
        %dma_start3A_133 = tpu.memref_squeeze %dma_start3A_132 : memref<1x1x125xi32, #tpu.memory_space<vmem>> -> memref<125xi32, #tpu.memory_space<vmem>>
        %dma_start3A_134 = arith.constant 0 : i32
        %dma_start3A_135 = arith.constant 0 : i32
        %dma_start3A_136 = tpu.memref_slice %arg2[%dma_start3A_134, %dma_start3A_135] : memref<10000x32xf32, #tpu.memory_space<hbm>> -> memref<10000x32xf32, #tpu.memory_space<hbm>>
        tpu.enqueue_indirect_dma source(%dma_start3A_136 : memref<10000x32xf32, #tpu.memory_space<hbm>>) target(%arg7 : memref<125x32xf32, #tpu.memory_space<vmem>>) offsets(%dma_start3A_133 : memref<125xi32, #tpu.memory_space<vmem>>) semaphore(%arg12 : memref<!tpu.dma_semaphore, #tpu.memory_space<semaphore_mem>>)
      } else {
      }
      %add3A_81 = arith.constant 1 : i32
      %add3A_82 = arith.addi %mul3A_49, %add3A_81 : i32
      %add3A_83 = arith.addi %mul3A_2, %add3A_82 : i32
      %mul3A_84 = arith.constant 125 : i32
      %mul3A_85 = arith.muli %add3A_83, %mul3A_84 : i32
      "tpu.region"() ({
        %run_scoped3A_126 = tpu.sem_alloc : memref<!tpu.dma_semaphore, #tpu.memory_space<semaphore_mem>>
        %dma_start3A_127 = arith.constant 0 : i32
        %dma_start3A_128 = tpu.memref_slice %arg4[%mul3A_85, %dma_start3A_127] : memref<320000x32xf32, #tpu.memory_space<hbm>> -> memref<125x32xf32, #tpu.memory_space<hbm>>
        %dma_start3A_129 = arith.constant 0 : i32
        %dma_start3A_130 = tpu.memref_slice %arg4[%mul3A_85, %dma_start3A_129] : memref<320000x32xf32, #tpu.memory_space<hbm>> -> memref<125x32xf32, #tpu.memory_space<hbm>>
        tpu.enqueue_dma source(%arg8 : memref<125x32xf32, #tpu.memory_space<vmem>>) target(%dma_start3A_130 : memref<125x32xf32, #tpu.memory_space<hbm>>) target_semaphore(%run_scoped3A_126 : memref<!tpu.dma_semaphore, #tpu.memory_space<semaphore_mem>>)
        %dma_wait3A_131 = arith.constant 0 : i32
        %dma_wait3A_132 = tpu.memref_slice %arg4[%mul3A_85, %dma_wait3A_131] : memref<320000x32xf32, #tpu.memory_space<hbm>> -> memref<125x32xf32, #tpu.memory_space<hbm>>
        %dma_wait3A_133 = arith.constant 0 : i32
        %dma_wait3A_134 = tpu.memref_slice %arg4[%mul3A_85, %dma_wait3A_133] : memref<320000x32xf32, #tpu.memory_space<hbm>> -> memref<125x32xf32, #tpu.memory_space<hbm>>
        tpu.wait_dma2 semaphore(%run_scoped3A_126 : memref<!tpu.dma_semaphore, #tpu.memory_space<semaphore_mem>>) src(%arg8 : memref<125x32xf32, #tpu.memory_space<vmem>>) dst(%dma_wait3A_134 : memref<125x32xf32, #tpu.memory_space<hbm>>)
        tpu.yield
      }) : () -> ()
      %dma_wait3A_86 = arith.constant 0 : i32
      %dma_wait3A_87 = arith.constant 0 : i32
      %dma_wait3A_88 = tpu.memref_slice %arg2[%dma_wait3A_86, %dma_wait3A_87] : memref<10000x32xf32, #tpu.memory_space<hbm>> -> memref<125x32xf32, #tpu.memory_space<hbm>>
      %dma_wait3A_89 = arith.constant 0 : i32
      %dma_wait3A_90 = arith.constant 0 : i32
      %dma_wait3A_91 = tpu.memref_slice %arg2[%dma_wait3A_89, %dma_wait3A_90] : memref<10000x32xf32, #tpu.memory_space<hbm>> -> memref<125x32xf32, #tpu.memory_space<hbm>>
      tpu.wait_dma2 semaphore(%arg14 : memref<!tpu.dma_semaphore, #tpu.memory_space<semaphore_mem>>) src(%dma_wait3A_91 : memref<125x32xf32, #tpu.memory_space<hbm>>) dst(%arg9 : memref<125x32xf32, #tpu.memory_space<vmem>>)
      %add3A_92 = arith.constant 2 : i32
      %add3A_93 = arith.addi %mul3A_49, %add3A_92 : i32
      %add3A_94 = arith.constant 3 : i32
      %add3A_95 = arith.addi %add3A_93, %add3A_94 : i32
      %lt3A_96 = arith.constant 80 : i32
      %lt3A_97 = arith.cmpi slt, %add3A_95, %lt3A_96 : i32
      %convert_element_type3A_98 = arith.extui %lt3A_97 : i1 to i32
      %cond3A_99 = arith.constant 0 : i32
      %cond3A_100 = arith.cmpi ne, %convert_element_type3A_98, %cond3A_99 : i32
      scf.if %cond3A_100 {
        %add3A_126 = arith.constant 2 : i32
        %add3A_127 = arith.addi %mul3A_49, %add3A_126 : i32
        %add3A_128 = arith.constant 3 : i32
        %add3A_129 = arith.addi %add3A_127, %add3A_128 : i32
        %dma_start3A_130 = arith.constant 0 : i32
        %dma_start3A_131 = arith.constant 0 : i32
        %dma_start3A_132 = tpu.memref_slice %arg6[%add3A_129, %dma_start3A_130, %dma_start3A_131] : memref<80x1x125xi32, #tpu.memory_space<vmem>> -> memref<1x1x125xi32, #tpu.memory_space<vmem>>
        %dma_start3A_133 = tpu.memref_squeeze %dma_start3A_132 : memref<1x1x125xi32, #tpu.memory_space<vmem>> -> memref<125xi32, #tpu.memory_space<vmem>>
        %dma_start3A_134 = arith.constant 0 : i32
        %dma_start3A_135 = arith.constant 0 : i32
        %dma_start3A_136 = tpu.memref_slice %arg2[%dma_start3A_134, %dma_start3A_135] : memref<10000x32xf32, #tpu.memory_space<hbm>> -> memref<10000x32xf32, #tpu.memory_space<hbm>>
        tpu.enqueue_indirect_dma source(%dma_start3A_136 : memref<10000x32xf32, #tpu.memory_space<hbm>>) target(%arg8 : memref<125x32xf32, #tpu.memory_space<vmem>>) offsets(%dma_start3A_133 : memref<125xi32, #tpu.memory_space<vmem>>) semaphore(%arg13 : memref<!tpu.dma_semaphore, #tpu.memory_space<semaphore_mem>>)
      } else {
      }
      %add3A_101 = arith.constant 2 : i32
      %add3A_102 = arith.addi %mul3A_49, %add3A_101 : i32
      %add3A_103 = arith.addi %mul3A_2, %add3A_102 : i32
      %mul3A_104 = arith.constant 125 : i32
      %mul3A_105 = arith.muli %add3A_103, %mul3A_104 : i32
      "tpu.region"() ({
        %run_scoped3A_126 = tpu.sem_alloc : memref<!tpu.dma_semaphore, #tpu.memory_space<semaphore_mem>>
        %dma_start3A_127 = arith.constant 0 : i32
        %dma_start3A_128 = tpu.memref_slice %arg4[%mul3A_105, %dma_start3A_127] : memref<320000x32xf32, #tpu.memory_space<hbm>> -> memref<125x32xf32, #tpu.memory_space<hbm>>
        %dma_start3A_129 = arith.constant 0 : i32
        %dma_start3A_130 = tpu.memref_slice %arg4[%mul3A_105, %dma_start3A_129] : memref<320000x32xf32, #tpu.memory_space<hbm>> -> memref<125x32xf32, #tpu.memory_space<hbm>>
        tpu.enqueue_dma source(%arg9 : memref<125x32xf32, #tpu.memory_space<vmem>>) target(%dma_start3A_130 : memref<125x32xf32, #tpu.memory_space<hbm>>) target_semaphore(%run_scoped3A_126 : memref<!tpu.dma_semaphore, #tpu.memory_space<semaphore_mem>>)
        %dma_wait3A_131 = arith.constant 0 : i32
        %dma_wait3A_132 = tpu.memref_slice %arg4[%mul3A_105, %dma_wait3A_131] : memref<320000x32xf32, #tpu.memory_space<hbm>> -> memref<125x32xf32, #tpu.memory_space<hbm>>
        %dma_wait3A_133 = arith.constant 0 : i32
        %dma_wait3A_134 = tpu.memref_slice %arg4[%mul3A_105, %dma_wait3A_133] : memref<320000x32xf32, #tpu.memory_space<hbm>> -> memref<125x32xf32, #tpu.memory_space<hbm>>
        tpu.wait_dma2 semaphore(%run_scoped3A_126 : memref<!tpu.dma_semaphore, #tpu.memory_space<semaphore_mem>>) src(%arg9 : memref<125x32xf32, #tpu.memory_space<vmem>>) dst(%dma_wait3A_134 : memref<125x32xf32, #tpu.memory_space<hbm>>)
        tpu.yield
      }) : () -> ()
      %dma_wait3A_106 = arith.constant 0 : i32
      %dma_wait3A_107 = arith.constant 0 : i32
      %dma_wait3A_108 = tpu.memref_slice %arg2[%dma_wait3A_106, %dma_wait3A_107] : memref<10000x32xf32, #tpu.memory_space<hbm>> -> memref<125x32xf32, #tpu.memory_space<hbm>>
      %dma_wait3A_109 = arith.constant 0 : i32
      %dma_wait3A_110 = arith.constant 0 : i32
      %dma_wait3A_111 = tpu.memref_slice %arg2[%dma_wait3A_109, %dma_wait3A_110] : memref<10000x32xf32, #tpu.memory_space<hbm>> -> memref<125x32xf32, #tpu.memory_space<hbm>>
      tpu.wait_dma2 semaphore(%arg15 : memref<!tpu.dma_semaphore, #tpu.memory_space<semaphore_mem>>) src(%dma_wait3A_111 : memref<125x32xf32, #tpu.memory_space<hbm>>) dst(%arg10 : memref<125x32xf32, #tpu.memory_space<vmem>>)
      %add3A_112 = arith.constant 3 : i32
      %add3A_113 = arith.addi %mul3A_49, %add3A_112 : i32
      %add3A_114 = arith.constant 3 : i32
      %add3A_115 = arith.addi %add3A_113, %add3A_114 : i32
      %lt3A_116 = arith.constant 80 : i32
      %lt3A_117 = arith.cmpi slt, %add3A_115, %lt3A_116 : i32
      %convert_element_type3A_118 = arith.extui %lt3A_117 : i1 to i32
      %cond3A_119 = arith.constant 0 : i32
      %cond3A_120 = arith.cmpi ne, %convert_element_type3A_118, %cond3A_119 : i32
      scf.if %cond3A_120 {
        %add3A_126 = arith.constant 3 : i32
        %add3A_127 = arith.addi %mul3A_49, %add3A_126 : i32
        %add3A_128 = arith.constant 3 : i32
        %add3A_129 = arith.addi %add3A_127, %add3A_128 : i32
        %dma_start3A_130 = arith.constant 0 : i32
        %dma_start3A_131 = arith.constant 0 : i32
        %dma_start3A_132 = tpu.memref_slice %arg6[%add3A_129, %dma_start3A_130, %dma_start3A_131] : memref<80x1x125xi32, #tpu.memory_space<vmem>> -> memref<1x1x125xi32, #tpu.memory_space<vmem>>
        %dma_start3A_133 = tpu.memref_squeeze %dma_start3A_132 : memref<1x1x125xi32, #tpu.memory_space<vmem>> -> memref<125xi32, #tpu.memory_space<vmem>>
        %dma_start3A_134 = arith.constant 0 : i32
        %dma_start3A_135 = arith.constant 0 : i32
        %dma_start3A_136 = tpu.memref_slice %arg2[%dma_start3A_134, %dma_start3A_135] : memref<10000x32xf32, #tpu.memory_space<hbm>> -> memref<10000x32xf32, #tpu.memory_space<hbm>>
        tpu.enqueue_indirect_dma source(%dma_start3A_136 : memref<10000x32xf32, #tpu.memory_space<hbm>>) target(%arg9 : memref<125x32xf32, #tpu.memory_space<vmem>>) offsets(%dma_start3A_133 : memref<125xi32, #tpu.memory_space<vmem>>) semaphore(%arg14 : memref<!tpu.dma_semaphore, #tpu.memory_space<semaphore_mem>>)
      } else {
      }
      %add3A_121 = arith.constant 3 : i32
      %add3A_122 = arith.addi %mul3A_49, %add3A_121 : i32
      %add3A_123 = arith.addi %mul3A_2, %add3A_122 : i32
      %mul3A_124 = arith.constant 125 : i32
      %mul3A_125 = arith.muli %add3A_123, %mul3A_124 : i32
      "tpu.region"() ({
        %run_scoped3A_126 = tpu.sem_alloc : memref<!tpu.dma_semaphore, #tpu.memory_space<semaphore_mem>>
        %dma_start3A_127 = arith.constant 0 : i32
        %dma_start3A_128 = tpu.memref_slice %arg4[%mul3A_125, %dma_start3A_127] : memref<320000x32xf32, #tpu.memory_space<hbm>> -> memref<125x32xf32, #tpu.memory_space<hbm>>
        %dma_start3A_129 = arith.constant 0 : i32
        %dma_start3A_130 = tpu.memref_slice %arg4[%mul3A_125, %dma_start3A_129] : memref<320000x32xf32, #tpu.memory_space<hbm>> -> memref<125x32xf32, #tpu.memory_space<hbm>>
        tpu.enqueue_dma source(%arg10 : memref<125x32xf32, #tpu.memory_space<vmem>>) target(%dma_start3A_130 : memref<125x32xf32, #tpu.memory_space<hbm>>) target_semaphore(%run_scoped3A_126 : memref<!tpu.dma_semaphore, #tpu.memory_space<semaphore_mem>>)
        %dma_wait3A_131 = arith.constant 0 : i32
        %dma_wait3A_132 = tpu.memref_slice %arg4[%mul3A_125, %dma_wait3A_131] : memref<320000x32xf32, #tpu.memory_space<hbm>> -> memref<125x32xf32, #tpu.memory_space<hbm>>
        %dma_wait3A_133 = arith.constant 0 : i32
        %dma_wait3A_134 = tpu.memref_slice %arg4[%mul3A_125, %dma_wait3A_133] : memref<320000x32xf32, #tpu.memory_space<hbm>> -> memref<125x32xf32, #tpu.memory_space<hbm>>
        tpu.wait_dma2 semaphore(%run_scoped3A_126 : memref<!tpu.dma_semaphore, #tpu.memory_space<semaphore_mem>>) src(%arg10 : memref<125x32xf32, #tpu.memory_space<vmem>>) dst(%dma_wait3A_134 : memref<125x32xf32, #tpu.memory_space<hbm>>)
        tpu.yield
      }) : () -> ()
    }
    %scan3A_29 = arith.constant 20 : i32
    %scan3A_30 = arith.constant 0 : i32
    %scan3A_31 = arith.constant 625 : i32
    %scan3A_32 = arith.addi %scan3A_30, %scan3A_31 : i32
    %scan3A_33 = arith.constant 1 : i32
    scf.for %scan3A_43 = %scan3A_30 to %scan3A_32 step %scan3A_33  : i32 {
      %mul3A_44 = arith.constant 16 : i32
      %mul3A_45 = arith.muli %scan3A_43, %mul3A_44 : i32
      %add3A_46 = arith.constant 0 : i32
      %add3A_47 = arith.addi %add3A_46, %mul3A_45 : i32
      %broadcast_in_dim3A_48 = arith.constant 0.000000e+00 : f32
      %broadcast_in_dim3A_49 = vector.broadcast %broadcast_in_dim3A_48 : f32 to vector<16xf32>
      %swap3A = arith.index_cast %add3A_47 : i32 to index
      %swap3A_50 = tpu.vector_load %arg11[%swap3A] {strides = array<i32>} : memref<10000xf32, #tpu.memory_space<vmem>>, vector<16xf32>,
      tpu.vector_store %arg11[%swap3A], %broadcast_in_dim3A_49 {strides = array<i32>} : memref<10000xf32, #tpu.memory_space<vmem>>, vector<16xf32>,
    }
    %scan3A_34 = arith.constant 625 : i32
    %broadcast_in_dim3A = arith.constant 1.000000e+00 : f32
    %broadcast_in_dim3A_35 = vector.broadcast %broadcast_in_dim3A : f32 to vector<16xf32>
    %iota3A = tpu.iota {dimensions = array<i32: 0>} : vector<16xi32>
    %ge3A = arith.constant 3 : i32
    %ge3A_36 = vector.broadcast %ge3A : i32 to vector<16xi32>
    %ge3A_37 = arith.cmpi sge, %iota3A, %ge3A_36 : vector<16xi32>
    %scan3A_38 = arith.constant 0 : i32
    %scan3A_39 = arith.constant 80 : i32
    %scan3A_40 = arith.addi %scan3A_38, %scan3A_39 : i32
    %scan3A_41 = arith.constant 1 : i32
    scf.for %scan3A_43 = %scan3A_38 to %scan3A_40 step %scan3A_41  : i32 {
      %mul3A_44 = arith.constant 1 : i32
      %mul3A_45 = arith.muli %scan3A_43, %mul3A_44 : i32
      %add3A_46 = arith.constant 0 : i32
      %add3A_47 = arith.addi %add3A_46, %mul3A_45 : i32
      %scan3A_48 = arith.constant 0 : i32
      %scan3A_49 = arith.constant 7 : i32
      %scan3A_50 = arith.addi %scan3A_48, %scan3A_49 : i32
      %scan3A_51 = arith.constant 1 : i32
      scf.for %scan3A_57 = %scan3A_48 to %scan3A_50 step %scan3A_51  : i32 {
        %mul3A_58 = arith.constant 16 : i32
        %mul3A_59 = arith.muli %scan3A_57, %mul3A_58 : i32
        %add3A_60 = arith.constant 0 : i32
        %add3A_61 = arith.addi %add3A_60, %mul3A_59 : i32
        %get3A_62 = arith.constant 0 : i32
        %get3A_63 = arith.index_cast %add3A_47 : i32 to index
        %get3A_64 = arith.index_cast %get3A_62 : i32 to index
        %get3A_65 = arith.index_cast %add3A_61 : i32 to index
        %get3A_66 = tpu.vector_load %arg6[%get3A_63, %get3A_64, %get3A_65] {strides = array<i32>} : memref<80x1x125xi32, #tpu.memory_space<vmem>>, vector<16xi32>,
        tpu.vector_store_idx %arg11[%get3A_66], %broadcast_in_dim3A_35 {add = true} : memref<10000xf32, #tpu.memory_space<vmem>>[vector<16xi32>], vector<16xf32>,
      }
      %scan3A_52 = arith.constant 7 : i32
      %get3A = arith.constant 0 : i32
      %get3A_53 = arith.index_cast %add3A_47 : i32 to index
      %get3A_54 = arith.index_cast %get3A : i32 to index
      %get3A_55 = arith.constant 109 : index
      %get3A_56 = tpu.vector_load %arg6[%get3A_53, %get3A_54, %get3A_55] {strides = array<i32>} : memref<80x1x125xi32, #tpu.memory_space<vmem>>, vector<16xi32>,
      tpu.vector_store_idx %arg11[%get3A_56], %broadcast_in_dim3A_35 masked %ge3A_37 {add = true} : memref<10000xf32, #tpu.memory_space<vmem>>[vector<16xi32>], vector<16xf32>, vector<16xi1>
    }
    %scan3A_42 = arith.constant 80 : i32
    %run_scoped3A = arith.constant 0 : i32
    "tpu.region"() ({
      %run_scoped3A_43 = tpu.sem_alloc : memref<!tpu.dma_semaphore, #tpu.memory_space<semaphore_mem>>
      %dma_start3A_44 = arith.constant 0 : i32
      %dma_start3A_45 = tpu.memref_slice %arg5[%add3A, %run_scoped3A, %dma_start3A_44] : memref<32x1x10000xf32, #tpu.memory_space<hbm>> -> memref<1x1x10000xf32, #tpu.memory_space<hbm>>
      %dma_start3A_46 = tpu.memref_squeeze %dma_start3A_45 : memref<1x1x10000xf32, #tpu.memory_space<hbm>> -> memref<10000xf32, #tpu.memory_space<hbm>>
      %dma_start3A_47 = arith.constant 0 : i32
      %dma_start3A_48 = tpu.memref_slice %arg5[%add3A, %run_scoped3A, %dma_start3A_47] : memref<32x1x10000xf32, #tpu.memory_space<hbm>> -> memref<1x1x10000xf32, #tpu.memory_space<hbm>>
      %dma_start3A_49 = tpu.memref_squeeze %dma_start3A_48 : memref<1x1x10000xf32, #tpu.memory_space<hbm>> -> memref<10000xf32, #tpu.memory_space<hbm>>
      tpu.enqueue_dma source(%arg11 : memref<10000xf32, #tpu.memory_space<vmem>>) target(%dma_start3A_49 : memref<10000xf32, #tpu.memory_space<hbm>>) target_semaphore(%run_scoped3A_43 : memref<!tpu.dma_semaphore, #tpu.memory_space<semaphore_mem>>)
      %dma_wait3A = arith.constant 0 : i32
      %dma_wait3A_50 = tpu.memref_slice %arg5[%add3A, %run_scoped3A, %dma_wait3A] : memref<32x1x10000xf32, #tpu.memory_space<hbm>> -> memref<1x1x10000xf32, #tpu.memory_space<hbm>>
      %dma_wait3A_51 = tpu.memref_squeeze %dma_wait3A_50 : memref<1x1x10000xf32, #tpu.memory_space<hbm>> -> memref<10000xf32, #tpu.memory_space<hbm>>
      %dma_wait3A_52 = arith.constant 0 : i32
      %dma_wait3A_53 = tpu.memref_slice %arg5[%add3A, %run_scoped3A, %dma_wait3A_52] : memref<32x1x10000xf32, #tpu.memory_space<hbm>> -> memref<1x1x10000xf32, #tpu.memory_space<hbm>>
      %dma_wait3A_54 = tpu.memref_squeeze %dma_wait3A_53 : memref<1x1x10000xf32, #tpu.memory_space<hbm>> -> memref<10000xf32, #tpu.memory_space<hbm>>
      tpu.wait_dma2 semaphore(%run_scoped3A_43 : memref<!tpu.dma_semaphore, #tpu.memory_space<semaphore_mem>>) src(%arg11 : memref<10000xf32, #tpu.memory_space<vmem>>) dst(%dma_wait3A_54 : memref<10000xf32, #tpu.memory_space<hbm>>)
      tpu.yield
    }) : () -> ()
    return
  }
}

#map = affine_map<(d0, d1) -> (0, 0)>
#map1 = affine_map<(d0, d1) -> (0, 0, 0)>
module attributes {stable_mosaic.version = 14 : i64} {
  func.func @_scatter(%arg0: i32, %arg1: i32, %arg2: memref<80000x128xf32, #tpu.memory_space<hbm>>, %arg3: memref<80000x128xf32, #tpu.memory_space<hbm>>, %arg4: memref<80000x128xf32, #tpu.memory_space<hbm>>, %arg5: memref<80000x128xf32, #tpu.memory_space<hbm>>, %arg6: memref<4x640x125xi32, #tpu.memory_space<hbm>>, %arg7: memref<2x10000x128xf32, #tpu.memory_space<hbm>>, %arg8: memref<80x125xi32, #tpu.memory_space<vmem>>, %arg9: memref<125x128xf32, #tpu.memory_space<vmem>>, %arg10: memref<125x128xf32, #tpu.memory_space<vmem>>, %arg11: memref<10000x128xf32, #tpu.memory_space<vmem_shared>>, %arg12: memref<!tpu.dma_semaphore, #tpu.memory_space<semaphore_mem>>, %arg13: memref<!tpu.dma_semaphore, #tpu.memory_space<semaphore_mem>>) attributes {dimension_semantics = [#tpu.dimension_semantics<core_parallel>, #tpu.dimension_semantics<subcore_parallel>], iteration_bounds = array<i64: 2, 16>, scalar_prefetch = 0 : i64, scratch_operands = 6 : i64, tpu.core_type = #tpu.core_type<sc_vector_subcore>, window_params = [{transform_indices = #map}, {transform_indices = #map}, {transform_indices = #map}, {transform_indices = #map}, {transform_indices = #map1}, {transform_indices = #map1}]} {
    %mul3A = arith.constant 2 : i32
    %mul3A_0 = arith.muli %arg1, %mul3A : i32
    %add3A = arith.addi %mul3A_0, %arg0 : i32
    %jit3A = arith.constant 8 : i32
    %div3A = arith.divsi %add3A, %jit3A : i32
    %sign3A = arith.constant 0 : i32
    %sign3A_1 = arith.cmpi sgt, %add3A, %sign3A : i32
    %sign3A_2 = arith.extui %sign3A_1 : i1 to i32
    %sign3A_3 = arith.constant 0 : i32
    %sign3A_4 = arith.cmpi slt, %add3A, %sign3A_3 : i32
    %sign3A_5 = arith.extui %sign3A_4 : i1 to i32
    %sign3A_6 = arith.subi %sign3A_2, %sign3A_5 : i32
    %sign3A_7 = arith.constant 0 : i32
    %sign3A_8 = arith.cmpi sgt, %jit3A, %sign3A_7 : i32
    %sign3A_9 = arith.extui %sign3A_8 : i1 to i32
    %sign3A_10 = arith.constant 0 : i32
    %sign3A_11 = arith.cmpi slt, %jit3A, %sign3A_10 : i32
    %sign3A_12 = arith.extui %sign3A_11 : i1 to i32
    %sign3A_13 = arith.subi %sign3A_9, %sign3A_12 : i32
    %ne3A = arith.cmpi ne, %sign3A_6, %sign3A_13 : i32
    %rem3A = arith.remsi %add3A, %jit3A : i32
    %ne3A_14 = arith.constant 0 : i32
    %ne3A_15 = arith.cmpi ne, %rem3A, %ne3A_14 : i32
    %and3A = arith.andi %ne3A, %ne3A_15 : i1
    %sub3A = arith.constant 1 : i32
    %sub3A_16 = arith.subi %div3A, %sub3A : i32
    %select_n3A = arith.select %and3A, %sub3A_16, %div3A : i32
    %jit3A_17 = arith.constant 8 : i32
    %eq3A = arith.constant 0 : i32
    %eq3A_18 = arith.cmpi eq, %jit3A_17, %eq3A : i32
    %jit3A_19 = arith.constant 1 : i32
    %select_n3A_20 = arith.select %eq3A_18, %jit3A_19, %jit3A_17 : i32
    %rem3A_21 = arith.remsi %add3A, %select_n3A_20 : i32
    %ne3A_22 = arith.constant 0 : i32
    %ne3A_23 = arith.cmpi ne, %rem3A_21, %ne3A_22 : i32
    %lt3A = arith.constant 0 : i32
    %lt3A_24 = arith.cmpi slt, %rem3A_21, %lt3A : i32
    %lt3A_25 = arith.constant 0 : i32
    %lt3A_26 = arith.cmpi slt, %select_n3A_20, %lt3A_25 : i32
    %ne3A_27 = arith.xori %lt3A_24, %lt3A_26 : i1
    %and3A_28 = arith.andi %ne3A_27, %ne3A_23 : i1
    %add3A_29 = arith.addi %rem3A_21, %select_n3A_20 : i32
    %select_n3A_30 = arith.select %and3A_28, %add3A_29, %rem3A_21 : i32
    %scan3A = arith.constant 0 : i32
    %scan3A_31 = arith.constant 125 : i32
    %scan3A_32 = arith.addi %scan3A, %scan3A_31 : i32
    %scan3A_33 = arith.constant 1 : i32
    scf.for %scan3A_75 = %scan3A to %scan3A_32 step %scan3A_33  : i32 {
      %mul3A_76 = arith.constant 1 : i32
      %mul3A_77 = arith.muli %scan3A_75, %mul3A_76 : i32
      %add3A_78 = arith.constant 0 : i32
      %add3A_79 = arith.addi %add3A_78, %mul3A_77 : i32
      %scan3A_80 = arith.constant 0 : i32
      %scan3A_81 = arith.constant 8 : i32
      %scan3A_82 = arith.addi %scan3A_80, %scan3A_81 : i32
      %scan3A_83 = arith.constant 1 : i32
      scf.for %scan3A_85 = %scan3A_80 to %scan3A_82 step %scan3A_83  : i32 {
        %mul3A_86 = arith.constant 16 : i32
        %mul3A_87 = arith.muli %scan3A_85, %mul3A_86 : i32
        %add3A_88 = arith.constant 0 : i32
        %add3A_89 = arith.addi %add3A_88, %mul3A_87 : i32
        %broadcast_in_dim3A = arith.constant 0.000000e+00 : f32
        %broadcast_in_dim3A_90 = vector.broadcast %broadcast_in_dim3A : f32 to vector<16xf32>
        %swap3A = arith.index_cast %add3A_79 : i32 to index
        %swap3A_91 = arith.index_cast %add3A_89 : i32 to index
        %swap3A_92 = tpu.vector_load %arg9[%swap3A, %swap3A_91] {strides = array<i32>} : memref<125x128xf32, #tpu.memory_space<vmem>>, vector<16xf32>,
        tpu.vector_store %arg9[%swap3A, %swap3A_91], %broadcast_in_dim3A_90 {strides = array<i32>} : memref<125x128xf32, #tpu.memory_space<vmem>>, vector<16xf32>,
      }
      %scan3A_84 = arith.constant 8 : i32
    }
    %scan3A_34 = arith.constant 125 : i32
    %scan3A_35 = arith.constant 0 : i32
    %scan3A_36 = arith.constant 5 : i32
    %scan3A_37 = arith.addi %scan3A_35, %scan3A_36 : i32
    %scan3A_38 = arith.constant 1 : i32
    scf.for %scan3A_75 = %scan3A_35 to %scan3A_37 step %scan3A_38  : i32 {
      %mul3A_76 = arith.constant 125 : i32
      %mul3A_77 = arith.muli %scan3A_75, %mul3A_76 : i32
      %add3A_78 = arith.constant 0 : i32
      %add3A_79 = arith.addi %add3A_78, %mul3A_77 : i32
      %mul3A_80 = arith.constant 625 : i32
      %mul3A_81 = arith.muli %arg1, %mul3A_80 : i32
      %add3A_82 = arith.addi %mul3A_81, %add3A_79 : i32
      "tpu.region"() ({
        %run_scoped3A = tpu.sem_alloc : memref<!tpu.dma_semaphore, #tpu.memory_space<semaphore_mem>>
        %dma_start3A_83 = arith.constant 0 : i32
        %dma_start3A_84 = tpu.memref_slice %arg11[%add3A_82, %dma_start3A_83] : memref<10000x128xf32, #tpu.memory_space<vmem_shared>> -> memref<125x128xf32, #tpu.memory_space<vmem_shared>>
        %dma_start3A_85 = arith.constant 0 : i32
        %dma_start3A_86 = tpu.memref_slice %arg11[%add3A_82, %dma_start3A_85] : memref<10000x128xf32, #tpu.memory_space<vmem_shared>> -> memref<125x128xf32, #tpu.memory_space<vmem_shared>>
        tpu.enqueue_dma source(%arg9 : memref<125x128xf32, #tpu.memory_space<vmem>>) target(%dma_start3A_86 : memref<125x128xf32, #tpu.memory_space<vmem_shared>>) target_semaphore(%run_scoped3A : memref<!tpu.dma_semaphore, #tpu.memory_space<semaphore_mem>>)
        %dma_wait3A_87 = arith.constant 0 : i32
        %dma_wait3A_88 = tpu.memref_slice %arg11[%add3A_82, %dma_wait3A_87] : memref<10000x128xf32, #tpu.memory_space<vmem_shared>> -> memref<125x128xf32, #tpu.memory_space<vmem_shared>>
        %dma_wait3A_89 = arith.constant 0 : i32
        %dma_wait3A_90 = tpu.memref_slice %arg11[%add3A_82, %dma_wait3A_89] : memref<10000x128xf32, #tpu.memory_space<vmem_shared>> -> memref<125x128xf32, #tpu.memory_space<vmem_shared>>
        tpu.wait_dma2 semaphore(%run_scoped3A : memref<!tpu.dma_semaphore, #tpu.memory_space<semaphore_mem>>) src(%arg9 : memref<125x128xf32, #tpu.memory_space<vmem>>) dst(%dma_wait3A_90 : memref<125x128xf32, #tpu.memory_space<vmem_shared>>)
        tpu.yield
      }) : () -> ()
    }
    %scan3A_39 = arith.constant 5 : i32
    %barrier3A = arith.constant 0 : index
    tpu.barrier barrier_id(%barrier3A)
    %mul3A_40 = arith.constant 80 : i32
    %mul3A_41 = arith.muli %select_n3A_30, %mul3A_40 : i32
    %dma_start3A = arith.constant 0 : i32
    %dma_start3A_42 = tpu.memref_slice %arg6[%select_n3A, %mul3A_41, %dma_start3A] : memref<4x640x125xi32, #tpu.memory_space<hbm>> -> memref<1x80x125xi32, #tpu.memory_space<hbm>>
    %dma_start3A_43 = tpu.memref_squeeze %dma_start3A_42 : memref<1x80x125xi32, #tpu.memory_space<hbm>> -> memref<80x125xi32, #tpu.memory_space<hbm>>
    %dma_start3A_44 = arith.constant 0 : i32
    %dma_start3A_45 = tpu.memref_slice %arg6[%select_n3A, %mul3A_41, %dma_start3A_44] : memref<4x640x125xi32, #tpu.memory_space<hbm>> -> memref<1x80x125xi32, #tpu.memory_space<hbm>>
    %dma_start3A_46 = tpu.memref_squeeze %dma_start3A_45 : memref<1x80x125xi32, #tpu.memory_space<hbm>> -> memref<80x125xi32, #tpu.memory_space<hbm>>
    tpu.enqueue_dma source(%dma_start3A_46 : memref<80x125xi32, #tpu.memory_space<hbm>>) target(%arg8 : memref<80x125xi32, #tpu.memory_space<vmem>>) target_semaphore(%arg12 : memref<!tpu.dma_semaphore, #tpu.memory_space<semaphore_mem>>)
    %dma_wait3A = arith.constant 0 : i32
    %dma_wait3A_47 = tpu.memref_slice %arg6[%select_n3A, %mul3A_41, %dma_wait3A] : memref<4x640x125xi32, #tpu.memory_space<hbm>> -> memref<1x80x125xi32, #tpu.memory_space<hbm>>
    %dma_wait3A_48 = tpu.memref_squeeze %dma_wait3A_47 : memref<1x80x125xi32, #tpu.memory_space<hbm>> -> memref<80x125xi32, #tpu.memory_space<hbm>>
    %dma_wait3A_49 = arith.constant 0 : i32
    %dma_wait3A_50 = tpu.memref_slice %arg6[%select_n3A, %mul3A_41, %dma_wait3A_49] : memref<4x640x125xi32, #tpu.memory_space<hbm>> -> memref<1x80x125xi32, #tpu.memory_space<hbm>>
    %dma_wait3A_51 = tpu.memref_squeeze %dma_wait3A_50 : memref<1x80x125xi32, #tpu.memory_space<hbm>> -> memref<80x125xi32, #tpu.memory_space<hbm>>
    tpu.wait_dma2 semaphore(%arg12 : memref<!tpu.dma_semaphore, #tpu.memory_space<semaphore_mem>>) src(%dma_wait3A_51 : memref<80x125xi32, #tpu.memory_space<hbm>>) dst(%arg8 : memref<80x125xi32, #tpu.memory_space<vmem>>)
    %eq3A_52 = arith.constant 0 : i32
    %eq3A_53 = arith.cmpi eq, %select_n3A, %eq3A_52 : i32
    %convert_element_type3A = arith.extui %eq3A_53 : i1 to i32
    %cond3A = arith.constant 0 : i32
    %cond3A_54 = arith.cmpi ne, %convert_element_type3A, %cond3A : i32
    scf.if %cond3A_54 {
      %mul3A_75 = arith.constant 80 : i32
      %mul3A_76 = arith.muli %select_n3A_30, %mul3A_75 : i32
      %add3A_77 = arith.constant 0 : i32
      %add3A_78 = arith.addi %mul3A_76, %add3A_77 : i32
      %mul3A_79 = arith.constant 125 : i32
      %mul3A_80 = arith.muli %add3A_78, %mul3A_79 : i32
      %dma_start3A_81 = arith.constant 0 : i32
      %dma_start3A_82 = tpu.memref_slice %arg2[%mul3A_80, %dma_start3A_81] : memref<80000x128xf32, #tpu.memory_space<hbm>> -> memref<125x128xf32, #tpu.memory_space<hbm>>
      %dma_start3A_83 = arith.constant 0 : i32
      %dma_start3A_84 = tpu.memref_slice %arg2[%mul3A_80, %dma_start3A_83] : memref<80000x128xf32, #tpu.memory_space<hbm>> -> memref<125x128xf32, #tpu.memory_space<hbm>>
      tpu.enqueue_dma source(%dma_start3A_84 : memref<125x128xf32, #tpu.memory_space<hbm>>) target(%arg9 : memref<125x128xf32, #tpu.memory_space<vmem>>) target_semaphore(%arg12 : memref<!tpu.dma_semaphore, #tpu.memory_space<semaphore_mem>>)
      %scan3A_85 = arith.constant 0 : i32
      %scan3A_86 = arith.constant 40 : i32
      %scan3A_87 = arith.addi %scan3A_85, %scan3A_86 : i32
      %scan3A_88 = arith.constant 1 : i32
      scf.for %scan3A_90 = %scan3A_85 to %scan3A_87 step %scan3A_88  : i32 {
        %mul3A_91 = arith.constant 1 : i32
        %mul3A_92 = arith.muli %scan3A_90, %mul3A_91 : i32
        %add3A_93 = arith.constant 0 : i32
        %add3A_94 = arith.addi %add3A_93, %mul3A_92 : i32
        %mul3A_95 = arith.constant 2 : i32
        %mul3A_96 = arith.muli %mul3A_95, %add3A_94 : i32
        %dma_wait3A_97 = arith.constant 0 : i32
        %dma_wait3A_98 = arith.constant 0 : i32
        %dma_wait3A_99 = tpu.memref_slice %arg2[%dma_wait3A_97, %dma_wait3A_98] : memref<80000x128xf32, #tpu.memory_space<hbm>> -> memref<125x128xf32, #tpu.memory_space<hbm>>
        %dma_wait3A_100 = arith.constant 0 : i32
        %dma_wait3A_101 = arith.constant 0 : i32
        %dma_wait3A_102 = tpu.memref_slice %arg2[%dma_wait3A_100, %dma_wait3A_101] : memref<80000x128xf32, #tpu.memory_space<hbm>> -> memref<125x128xf32, #tpu.memory_space<hbm>>
        tpu.wait_dma2 semaphore(%arg12 : memref<!tpu.dma_semaphore, #tpu.memory_space<semaphore_mem>>) src(%dma_wait3A_102 : memref<125x128xf32, #tpu.memory_space<hbm>>) dst(%arg9 : memref<125x128xf32, #tpu.memory_space<vmem>>)
        %add3A_103 = arith.constant 1 : i32
        %add3A_104 = arith.addi %mul3A_96, %add3A_103 : i32
        %mul3A_105 = arith.constant 80 : i32
        %mul3A_106 = arith.muli %select_n3A_30, %mul3A_105 : i32
        %add3A_107 = arith.addi %mul3A_106, %add3A_104 : i32
        %mul3A_108 = arith.constant 125 : i32
        %mul3A_109 = arith.muli %add3A_107, %mul3A_108 : i32
        %dma_start3A_110 = arith.constant 0 : i32
        %dma_start3A_111 = tpu.memref_slice %arg2[%mul3A_109, %dma_start3A_110] : memref<80000x128xf32, #tpu.memory_space<hbm>> -> memref<125x128xf32, #tpu.memory_space<hbm>>
        %dma_start3A_112 = arith.constant 0 : i32
        %dma_start3A_113 = tpu.memref_slice %arg2[%mul3A_109, %dma_start3A_112] : memref<80000x128xf32, #tpu.memory_space<hbm>> -> memref<125x128xf32, #tpu.memory_space<hbm>>
        tpu.enqueue_dma source(%dma_start3A_113 : memref<125x128xf32, #tpu.memory_space<hbm>>) target(%arg10 : memref<125x128xf32, #tpu.memory_space<vmem>>) target_semaphore(%arg13 : memref<!tpu.dma_semaphore, #tpu.memory_space<semaphore_mem>>)
        "tpu.region"() ({
          %run_scoped3A = tpu.sem_alloc : memref<!tpu.dma_semaphore, #tpu.memory_space<semaphore_mem>>
          %dma_start3A_129 = arith.constant 0 : i32
          %dma_start3A_130 = tpu.memref_slice %arg8[%mul3A_96, %dma_start3A_129] : memref<80x125xi32, #tpu.memory_space<vmem>> -> memref<1x125xi32, #tpu.memory_space<vmem>>
          %dma_start3A_131 = tpu.memref_squeeze %dma_start3A_130 : memref<1x125xi32, #tpu.memory_space<vmem>> -> memref<125xi32, #tpu.memory_space<vmem>>
          %dma_start3A_132 = arith.constant 0 : i32
          %dma_start3A_133 = arith.constant 0 : i32
          %dma_start3A_134 = tpu.memref_slice %arg11[%dma_start3A_132, %dma_start3A_133] : memref<10000x128xf32, #tpu.memory_space<vmem_shared>> -> memref<10000x128xf32, #tpu.memory_space<vmem_shared>>
          tpu.enqueue_indirect_dma source(%arg9 : memref<125x128xf32, #tpu.memory_space<vmem>>) target(%dma_start3A_134 : memref<10000x128xf32, #tpu.memory_space<vmem_shared>>) offsets(%dma_start3A_131 : memref<125xi32, #tpu.memory_space<vmem>>) semaphore(%run_scoped3A : memref<!tpu.dma_semaphore, #tpu.memory_space<semaphore_mem>>) {add = true}
          %dma_wait3A_135 = arith.constant 0 : i32
          %dma_wait3A_136 = tpu.memref_slice %arg8[%mul3A_96, %dma_wait3A_135] : memref<80x125xi32, #tpu.memory_space<vmem>> -> memref<1x125xi32, #tpu.memory_space<vmem>>
          %dma_wait3A_137 = tpu.memref_squeeze %dma_wait3A_136 : memref<1x125xi32, #tpu.memory_space<vmem>> -> memref<125xi32, #tpu.memory_space<vmem>>
          %dma_wait3A_138 = arith.constant 0 : i32
          %dma_wait3A_139 = arith.constant 0 : i32
          %dma_wait3A_140 = tpu.memref_slice %arg11[%dma_wait3A_138, %dma_wait3A_139] : memref<10000x128xf32, #tpu.memory_space<vmem_shared>> -> memref<10000x128xf32, #tpu.memory_space<vmem_shared>>
          tpu.wait_indirect_dma semaphore(%run_scoped3A : memref<!tpu.dma_semaphore, #tpu.memory_space<semaphore_mem>>) src(%arg9 : memref<125x128xf32, #tpu.memory_space<vmem>>) dst(%dma_wait3A_140 : memref<10000x128xf32, #tpu.memory_space<vmem_shared>>)
          tpu.yield
        }) : () -> ()
        %dma_wait3A_114 = arith.constant 0 : i32
        %dma_wait3A_115 = arith.constant 0 : i32
        %dma_wait3A_116 = tpu.memref_slice %arg2[%dma_wait3A_114, %dma_wait3A_115] : memref<80000x128xf32, #tpu.memory_space<hbm>> -> memref<125x128xf32, #tpu.memory_space<hbm>>
        %dma_wait3A_117 = arith.constant 0 : i32
        %dma_wait3A_118 = arith.constant 0 : i32
        %dma_wait3A_119 = tpu.memref_slice %arg2[%dma_wait3A_117, %dma_wait3A_118] : memref<80000x128xf32, #tpu.memory_space<hbm>> -> memref<125x128xf32, #tpu.memory_space<hbm>>
        tpu.wait_dma2 semaphore(%arg13 : memref<!tpu.dma_semaphore, #tpu.memory_space<semaphore_mem>>) src(%dma_wait3A_119 : memref<125x128xf32, #tpu.memory_space<hbm>>) dst(%arg10 : memref<125x128xf32, #tpu.memory_space<vmem>>)
        %add3A_120 = arith.constant 2 : i32
        %add3A_121 = arith.addi %mul3A_96, %add3A_120 : i32
        %lt3A_122 = arith.constant 80 : i32
        %lt3A_123 = arith.cmpi slt, %add3A_121, %lt3A_122 : i32
        %convert_element_type3A_124 = arith.extui %lt3A_123 : i1 to i32
        %cond3A_125 = arith.constant 0 : i32
        %cond3A_126 = arith.cmpi ne, %convert_element_type3A_124, %cond3A_125 : i32
        scf.if %cond3A_126 {
          %add3A_129 = arith.constant 2 : i32
          %add3A_130 = arith.addi %mul3A_96, %add3A_129 : i32
          %mul3A_131 = arith.constant 80 : i32
          %mul3A_132 = arith.muli %select_n3A_30, %mul3A_131 : i32
          %add3A_133 = arith.addi %mul3A_132, %add3A_130 : i32
          %mul3A_134 = arith.constant 125 : i32
          %mul3A_135 = arith.muli %add3A_133, %mul3A_134 : i32
          %dma_start3A_136 = arith.constant 0 : i32
          %dma_start3A_137 = tpu.memref_slice %arg2[%mul3A_135, %dma_start3A_136] : memref<80000x128xf32, #tpu.memory_space<hbm>> -> memref<125x128xf32, #tpu.memory_space<hbm>>
          %dma_start3A_138 = arith.constant 0 : i32
          %dma_start3A_139 = tpu.memref_slice %arg2[%mul3A_135, %dma_start3A_138] : memref<80000x128xf32, #tpu.memory_space<hbm>> -> memref<125x128xf32, #tpu.memory_space<hbm>>
          tpu.enqueue_dma source(%dma_start3A_139 : memref<125x128xf32, #tpu.memory_space<hbm>>) target(%arg9 : memref<125x128xf32, #tpu.memory_space<vmem>>) target_semaphore(%arg12 : memref<!tpu.dma_semaphore, #tpu.memory_space<semaphore_mem>>)
        } else {
        }
        %add3A_127 = arith.constant 1 : i32
        %add3A_128 = arith.addi %mul3A_96, %add3A_127 : i32
        "tpu.region"() ({
          %run_scoped3A = tpu.sem_alloc : memref<!tpu.dma_semaphore, #tpu.memory_space<semaphore_mem>>
          %dma_start3A_129 = arith.constant 0 : i32
          %dma_start3A_130 = tpu.memref_slice %arg8[%add3A_128, %dma_start3A_129] : memref<80x125xi32, #tpu.memory_space<vmem>> -> memref<1x125xi32, #tpu.memory_space<vmem>>
          %dma_start3A_131 = tpu.memref_squeeze %dma_start3A_130 : memref<1x125xi32, #tpu.memory_space<vmem>> -> memref<125xi32, #tpu.memory_space<vmem>>
          %dma_start3A_132 = arith.constant 0 : i32
          %dma_start3A_133 = arith.constant 0 : i32
          %dma_start3A_134 = tpu.memref_slice %arg11[%dma_start3A_132, %dma_start3A_133] : memref<10000x128xf32, #tpu.memory_space<vmem_shared>> -> memref<10000x128xf32, #tpu.memory_space<vmem_shared>>
          tpu.enqueue_indirect_dma source(%arg10 : memref<125x128xf32, #tpu.memory_space<vmem>>) target(%dma_start3A_134 : memref<10000x128xf32, #tpu.memory_space<vmem_shared>>) offsets(%dma_start3A_131 : memref<125xi32, #tpu.memory_space<vmem>>) semaphore(%run_scoped3A : memref<!tpu.dma_semaphore, #tpu.memory_space<semaphore_mem>>) {add = true}
          %dma_wait3A_135 = arith.constant 0 : i32
          %dma_wait3A_136 = tpu.memref_slice %arg8[%add3A_128, %dma_wait3A_135] : memref<80x125xi32, #tpu.memory_space<vmem>> -> memref<1x125xi32, #tpu.memory_space<vmem>>
          %dma_wait3A_137 = tpu.memref_squeeze %dma_wait3A_136 : memref<1x125xi32, #tpu.memory_space<vmem>> -> memref<125xi32, #tpu.memory_space<vmem>>
          %dma_wait3A_138 = arith.constant 0 : i32
          %dma_wait3A_139 = arith.constant 0 : i32
          %dma_wait3A_140 = tpu.memref_slice %arg11[%dma_wait3A_138, %dma_wait3A_139] : memref<10000x128xf32, #tpu.memory_space<vmem_shared>> -> memref<10000x128xf32, #tpu.memory_space<vmem_shared>>
          tpu.wait_indirect_dma semaphore(%run_scoped3A : memref<!tpu.dma_semaphore, #tpu.memory_space<semaphore_mem>>) src(%arg10 : memref<125x128xf32, #tpu.memory_space<vmem>>) dst(%dma_wait3A_140 : memref<10000x128xf32, #tpu.memory_space<vmem_shared>>)
          tpu.yield
        }) : () -> ()
      }
      %scan3A_89 = arith.constant 40 : i32
    } else {
    }
    %eq3A_55 = arith.constant 1 : i32
    %eq3A_56 = arith.cmpi eq, %select_n3A, %eq3A_55 : i32
    %convert_element_type3A_57 = arith.extui %eq3A_56 : i1 to i32
    %cond3A_58 = arith.constant 0 : i32
    %cond3A_59 = arith.cmpi ne, %convert_element_type3A_57, %cond3A_58 : i32
    scf.if %cond3A_59 {
      %mul3A_75 = arith.constant 80 : i32
      %mul3A_76 = arith.muli %select_n3A_30, %mul3A_75 : i32
      %add3A_77 = arith.constant 0 : i32
      %add3A_78 = arith.addi %mul3A_76, %add3A_77 : i32
      %mul3A_79 = arith.constant 125 : i32
      %mul3A_80 = arith.muli %add3A_78, %mul3A_79 : i32
      %dma_start3A_81 = arith.constant 0 : i32
      %dma_start3A_82 = tpu.memref_slice %arg3[%mul3A_80, %dma_start3A_81] : memref<80000x128xf32, #tpu.memory_space<hbm>> -> memref<125x128xf32, #tpu.memory_space<hbm>>
      %dma_start3A_83 = arith.constant 0 : i32
      %dma_start3A_84 = tpu.memref_slice %arg3[%mul3A_80, %dma_start3A_83] : memref<80000x128xf32, #tpu.memory_space<hbm>> -> memref<125x128xf32, #tpu.memory_space<hbm>>
      tpu.enqueue_dma source(%dma_start3A_84 : memref<125x128xf32, #tpu.memory_space<hbm>>) target(%arg9 : memref<125x128xf32, #tpu.memory_space<vmem>>) target_semaphore(%arg12 : memref<!tpu.dma_semaphore, #tpu.memory_space<semaphore_mem>>)
      %scan3A_85 = arith.constant 0 : i32
      %scan3A_86 = arith.constant 40 : i32
      %scan3A_87 = arith.addi %scan3A_85, %scan3A_86 : i32
      %scan3A_88 = arith.constant 1 : i32
      scf.for %scan3A_90 = %scan3A_85 to %scan3A_87 step %scan3A_88  : i32 {
        %mul3A_91 = arith.constant 1 : i32
        %mul3A_92 = arith.muli %scan3A_90, %mul3A_91 : i32
        %add3A_93 = arith.constant 0 : i32
        %add3A_94 = arith.addi %add3A_93, %mul3A_92 : i32
        %mul3A_95 = arith.constant 2 : i32
        %mul3A_96 = arith.muli %mul3A_95, %add3A_94 : i32
        %dma_wait3A_97 = arith.constant 0 : i32
        %dma_wait3A_98 = arith.constant 0 : i32
        %dma_wait3A_99 = tpu.memref_slice %arg3[%dma_wait3A_97, %dma_wait3A_98] : memref<80000x128xf32, #tpu.memory_space<hbm>> -> memref<125x128xf32, #tpu.memory_space<hbm>>
        %dma_wait3A_100 = arith.constant 0 : i32
        %dma_wait3A_101 = arith.constant 0 : i32
        %dma_wait3A_102 = tpu.memref_slice %arg3[%dma_wait3A_100, %dma_wait3A_101] : memref<80000x128xf32, #tpu.memory_space<hbm>> -> memref<125x128xf32, #tpu.memory_space<hbm>>
        tpu.wait_dma2 semaphore(%arg12 : memref<!tpu.dma_semaphore, #tpu.memory_space<semaphore_mem>>) src(%dma_wait3A_102 : memref<125x128xf32, #tpu.memory_space<hbm>>) dst(%arg9 : memref<125x128xf32, #tpu.memory_space<vmem>>)
        %add3A_103 = arith.constant 1 : i32
        %add3A_104 = arith.addi %mul3A_96, %add3A_103 : i32
        %mul3A_105 = arith.constant 80 : i32
        %mul3A_106 = arith.muli %select_n3A_30, %mul3A_105 : i32
        %add3A_107 = arith.addi %mul3A_106, %add3A_104 : i32
        %mul3A_108 = arith.constant 125 : i32
        %mul3A_109 = arith.muli %add3A_107, %mul3A_108 : i32
        %dma_start3A_110 = arith.constant 0 : i32
        %dma_start3A_111 = tpu.memref_slice %arg3[%mul3A_109, %dma_start3A_110] : memref<80000x128xf32, #tpu.memory_space<hbm>> -> memref<125x128xf32, #tpu.memory_space<hbm>>
        %dma_start3A_112 = arith.constant 0 : i32
        %dma_start3A_113 = tpu.memref_slice %arg3[%mul3A_109, %dma_start3A_112] : memref<80000x128xf32, #tpu.memory_space<hbm>> -> memref<125x128xf32, #tpu.memory_space<hbm>>
        tpu.enqueue_dma source(%dma_start3A_113 : memref<125x128xf32, #tpu.memory_space<hbm>>) target(%arg10 : memref<125x128xf32, #tpu.memory_space<vmem>>) target_semaphore(%arg13 : memref<!tpu.dma_semaphore, #tpu.memory_space<semaphore_mem>>)
        "tpu.region"() ({
          %run_scoped3A = tpu.sem_alloc : memref<!tpu.dma_semaphore, #tpu.memory_space<semaphore_mem>>
          %dma_start3A_129 = arith.constant 0 : i32
          %dma_start3A_130 = tpu.memref_slice %arg8[%mul3A_96, %dma_start3A_129] : memref<80x125xi32, #tpu.memory_space<vmem>> -> memref<1x125xi32, #tpu.memory_space<vmem>>
          %dma_start3A_131 = tpu.memref_squeeze %dma_start3A_130 : memref<1x125xi32, #tpu.memory_space<vmem>> -> memref<125xi32, #tpu.memory_space<vmem>>
          %dma_start3A_132 = arith.constant 0 : i32
          %dma_start3A_133 = arith.constant 0 : i32
          %dma_start3A_134 = tpu.memref_slice %arg11[%dma_start3A_132, %dma_start3A_133] : memref<10000x128xf32, #tpu.memory_space<vmem_shared>> -> memref<10000x128xf32, #tpu.memory_space<vmem_shared>>
          tpu.enqueue_indirect_dma source(%arg9 : memref<125x128xf32, #tpu.memory_space<vmem>>) target(%dma_start3A_134 : memref<10000x128xf32, #tpu.memory_space<vmem_shared>>) offsets(%dma_start3A_131 : memref<125xi32, #tpu.memory_space<vmem>>) semaphore(%run_scoped3A : memref<!tpu.dma_semaphore, #tpu.memory_space<semaphore_mem>>) {add = true}
          %dma_wait3A_135 = arith.constant 0 : i32
          %dma_wait3A_136 = tpu.memref_slice %arg8[%mul3A_96, %dma_wait3A_135] : memref<80x125xi32, #tpu.memory_space<vmem>> -> memref<1x125xi32, #tpu.memory_space<vmem>>
          %dma_wait3A_137 = tpu.memref_squeeze %dma_wait3A_136 : memref<1x125xi32, #tpu.memory_space<vmem>> -> memref<125xi32, #tpu.memory_space<vmem>>
          %dma_wait3A_138 = arith.constant 0 : i32
          %dma_wait3A_139 = arith.constant 0 : i32
          %dma_wait3A_140 = tpu.memref_slice %arg11[%dma_wait3A_138, %dma_wait3A_139] : memref<10000x128xf32, #tpu.memory_space<vmem_shared>> -> memref<10000x128xf32, #tpu.memory_space<vmem_shared>>
          tpu.wait_indirect_dma semaphore(%run_scoped3A : memref<!tpu.dma_semaphore, #tpu.memory_space<semaphore_mem>>) src(%arg9 : memref<125x128xf32, #tpu.memory_space<vmem>>) dst(%dma_wait3A_140 : memref<10000x128xf32, #tpu.memory_space<vmem_shared>>)
          tpu.yield
        }) : () -> ()
        %dma_wait3A_114 = arith.constant 0 : i32
        %dma_wait3A_115 = arith.constant 0 : i32
        %dma_wait3A_116 = tpu.memref_slice %arg3[%dma_wait3A_114, %dma_wait3A_115] : memref<80000x128xf32, #tpu.memory_space<hbm>> -> memref<125x128xf32, #tpu.memory_space<hbm>>
        %dma_wait3A_117 = arith.constant 0 : i32
        %dma_wait3A_118 = arith.constant 0 : i32
        %dma_wait3A_119 = tpu.memref_slice %arg3[%dma_wait3A_117, %dma_wait3A_118] : memref<80000x128xf32, #tpu.memory_space<hbm>> -> memref<125x128xf32, #tpu.memory_space<hbm>>
        tpu.wait_dma2 semaphore(%arg13 : memref<!tpu.dma_semaphore, #tpu.memory_space<semaphore_mem>>) src(%dma_wait3A_119 : memref<125x128xf32, #tpu.memory_space<hbm>>) dst(%arg10 : memref<125x128xf32, #tpu.memory_space<vmem>>)
        %add3A_120 = arith.constant 2 : i32
        %add3A_121 = arith.addi %mul3A_96, %add3A_120 : i32
        %lt3A_122 = arith.constant 80 : i32
        %lt3A_123 = arith.cmpi slt, %add3A_121, %lt3A_122 : i32
        %convert_element_type3A_124 = arith.extui %lt3A_123 : i1 to i32
        %cond3A_125 = arith.constant 0 : i32
        %cond3A_126 = arith.cmpi ne, %convert_element_type3A_124, %cond3A_125 : i32
        scf.if %cond3A_126 {
          %add3A_129 = arith.constant 2 : i32
          %add3A_130 = arith.addi %mul3A_96, %add3A_129 : i32
          %mul3A_131 = arith.constant 80 : i32
          %mul3A_132 = arith.muli %select_n3A_30, %mul3A_131 : i32
          %add3A_133 = arith.addi %mul3A_132, %add3A_130 : i32
          %mul3A_134 = arith.constant 125 : i32
          %mul3A_135 = arith.muli %add3A_133, %mul3A_134 : i32
          %dma_start3A_136 = arith.constant 0 : i32
          %dma_start3A_137 = tpu.memref_slice %arg3[%mul3A_135, %dma_start3A_136] : memref<80000x128xf32, #tpu.memory_space<hbm>> -> memref<125x128xf32, #tpu.memory_space<hbm>>
          %dma_start3A_138 = arith.constant 0 : i32
          %dma_start3A_139 = tpu.memref_slice %arg3[%mul3A_135, %dma_start3A_138] : memref<80000x128xf32, #tpu.memory_space<hbm>> -> memref<125x128xf32, #tpu.memory_space<hbm>>
          tpu.enqueue_dma source(%dma_start3A_139 : memref<125x128xf32, #tpu.memory_space<hbm>>) target(%arg9 : memref<125x128xf32, #tpu.memory_space<vmem>>) target_semaphore(%arg12 : memref<!tpu.dma_semaphore, #tpu.memory_space<semaphore_mem>>)
        } else {
        }
        %add3A_127 = arith.constant 1 : i32
        %add3A_128 = arith.addi %mul3A_96, %add3A_127 : i32
        "tpu.region"() ({
          %run_scoped3A = tpu.sem_alloc : memref<!tpu.dma_semaphore, #tpu.memory_space<semaphore_mem>>
          %dma_start3A_129 = arith.constant 0 : i32
          %dma_start3A_130 = tpu.memref_slice %arg8[%add3A_128, %dma_start3A_129] : memref<80x125xi32, #tpu.memory_space<vmem>> -> memref<1x125xi32, #tpu.memory_space<vmem>>
          %dma_start3A_131 = tpu.memref_squeeze %dma_start3A_130 : memref<1x125xi32, #tpu.memory_space<vmem>> -> memref<125xi32, #tpu.memory_space<vmem>>
          %dma_start3A_132 = arith.constant 0 : i32
          %dma_start3A_133 = arith.constant 0 : i32
          %dma_start3A_134 = tpu.memref_slice %arg11[%dma_start3A_132, %dma_start3A_133] : memref<10000x128xf32, #tpu.memory_space<vmem_shared>> -> memref<10000x128xf32, #tpu.memory_space<vmem_shared>>
          tpu.enqueue_indirect_dma source(%arg10 : memref<125x128xf32, #tpu.memory_space<vmem>>) target(%dma_start3A_134 : memref<10000x128xf32, #tpu.memory_space<vmem_shared>>) offsets(%dma_start3A_131 : memref<125xi32, #tpu.memory_space<vmem>>) semaphore(%run_scoped3A : memref<!tpu.dma_semaphore, #tpu.memory_space<semaphore_mem>>) {add = true}
          %dma_wait3A_135 = arith.constant 0 : i32
          %dma_wait3A_136 = tpu.memref_slice %arg8[%add3A_128, %dma_wait3A_135] : memref<80x125xi32, #tpu.memory_space<vmem>> -> memref<1x125xi32, #tpu.memory_space<vmem>>
          %dma_wait3A_137 = tpu.memref_squeeze %dma_wait3A_136 : memref<1x125xi32, #tpu.memory_space<vmem>> -> memref<125xi32, #tpu.memory_space<vmem>>
          %dma_wait3A_138 = arith.constant 0 : i32
          %dma_wait3A_139 = arith.constant 0 : i32
          %dma_wait3A_140 = tpu.memref_slice %arg11[%dma_wait3A_138, %dma_wait3A_139] : memref<10000x128xf32, #tpu.memory_space<vmem_shared>> -> memref<10000x128xf32, #tpu.memory_space<vmem_shared>>
          tpu.wait_indirect_dma semaphore(%run_scoped3A : memref<!tpu.dma_semaphore, #tpu.memory_space<semaphore_mem>>) src(%arg10 : memref<125x128xf32, #tpu.memory_space<vmem>>) dst(%dma_wait3A_140 : memref<10000x128xf32, #tpu.memory_space<vmem_shared>>)
          tpu.yield
        }) : () -> ()
      }
      %scan3A_89 = arith.constant 40 : i32
    } else {
    }
    %eq3A_60 = arith.constant 2 : i32
    %eq3A_61 = arith.cmpi eq, %select_n3A, %eq3A_60 : i32
    %convert_element_type3A_62 = arith.extui %eq3A_61 : i1 to i32
    %cond3A_63 = arith.constant 0 : i32
    %cond3A_64 = arith.cmpi ne, %convert_element_type3A_62, %cond3A_63 : i32
    scf.if %cond3A_64 {
      %mul3A_75 = arith.constant 80 : i32
      %mul3A_76 = arith.muli %select_n3A_30, %mul3A_75 : i32
      %add3A_77 = arith.constant 0 : i32
      %add3A_78 = arith.addi %mul3A_76, %add3A_77 : i32
      %mul3A_79 = arith.constant 125 : i32
      %mul3A_80 = arith.muli %add3A_78, %mul3A_79 : i32
      %dma_start3A_81 = arith.constant 0 : i32
      %dma_start3A_82 = tpu.memref_slice %arg4[%mul3A_80, %dma_start3A_81] : memref<80000x128xf32, #tpu.memory_space<hbm>> -> memref<125x128xf32, #tpu.memory_space<hbm>>
      %dma_start3A_83 = arith.constant 0 : i32
      %dma_start3A_84 = tpu.memref_slice %arg4[%mul3A_80, %dma_start3A_83] : memref<80000x128xf32, #tpu.memory_space<hbm>> -> memref<125x128xf32, #tpu.memory_space<hbm>>
      tpu.enqueue_dma source(%dma_start3A_84 : memref<125x128xf32, #tpu.memory_space<hbm>>) target(%arg9 : memref<125x128xf32, #tpu.memory_space<vmem>>) target_semaphore(%arg12 : memref<!tpu.dma_semaphore, #tpu.memory_space<semaphore_mem>>)
      %scan3A_85 = arith.constant 0 : i32
      %scan3A_86 = arith.constant 40 : i32
      %scan3A_87 = arith.addi %scan3A_85, %scan3A_86 : i32
      %scan3A_88 = arith.constant 1 : i32
      scf.for %scan3A_90 = %scan3A_85 to %scan3A_87 step %scan3A_88  : i32 {
        %mul3A_91 = arith.constant 1 : i32
        %mul3A_92 = arith.muli %scan3A_90, %mul3A_91 : i32
        %add3A_93 = arith.constant 0 : i32
        %add3A_94 = arith.addi %add3A_93, %mul3A_92 : i32
        %mul3A_95 = arith.constant 2 : i32
        %mul3A_96 = arith.muli %mul3A_95, %add3A_94 : i32
        %dma_wait3A_97 = arith.constant 0 : i32
        %dma_wait3A_98 = arith.constant 0 : i32
        %dma_wait3A_99 = tpu.memref_slice %arg4[%dma_wait3A_97, %dma_wait3A_98] : memref<80000x128xf32, #tpu.memory_space<hbm>> -> memref<125x128xf32, #tpu.memory_space<hbm>>
        %dma_wait3A_100 = arith.constant 0 : i32
        %dma_wait3A_101 = arith.constant 0 : i32
        %dma_wait3A_102 = tpu.memref_slice %arg4[%dma_wait3A_100, %dma_wait3A_101] : memref<80000x128xf32, #tpu.memory_space<hbm>> -> memref<125x128xf32, #tpu.memory_space<hbm>>
        tpu.wait_dma2 semaphore(%arg12 : memref<!tpu.dma_semaphore, #tpu.memory_space<semaphore_mem>>) src(%dma_wait3A_102 : memref<125x128xf32, #tpu.memory_space<hbm>>) dst(%arg9 : memref<125x128xf32, #tpu.memory_space<vmem>>)
        %add3A_103 = arith.constant 1 : i32
        %add3A_104 = arith.addi %mul3A_96, %add3A_103 : i32
        %mul3A_105 = arith.constant 80 : i32
        %mul3A_106 = arith.muli %select_n3A_30, %mul3A_105 : i32
        %add3A_107 = arith.addi %mul3A_106, %add3A_104 : i32
        %mul3A_108 = arith.constant 125 : i32
        %mul3A_109 = arith.muli %add3A_107, %mul3A_108 : i32
        %dma_start3A_110 = arith.constant 0 : i32
        %dma_start3A_111 = tpu.memref_slice %arg4[%mul3A_109, %dma_start3A_110] : memref<80000x128xf32, #tpu.memory_space<hbm>> -> memref<125x128xf32, #tpu.memory_space<hbm>>
        %dma_start3A_112 = arith.constant 0 : i32
        %dma_start3A_113 = tpu.memref_slice %arg4[%mul3A_109, %dma_start3A_112] : memref<80000x128xf32, #tpu.memory_space<hbm>> -> memref<125x128xf32, #tpu.memory_space<hbm>>
        tpu.enqueue_dma source(%dma_start3A_113 : memref<125x128xf32, #tpu.memory_space<hbm>>) target(%arg10 : memref<125x128xf32, #tpu.memory_space<vmem>>) target_semaphore(%arg13 : memref<!tpu.dma_semaphore, #tpu.memory_space<semaphore_mem>>)
        "tpu.region"() ({
          %run_scoped3A = tpu.sem_alloc : memref<!tpu.dma_semaphore, #tpu.memory_space<semaphore_mem>>
          %dma_start3A_129 = arith.constant 0 : i32
          %dma_start3A_130 = tpu.memref_slice %arg8[%mul3A_96, %dma_start3A_129] : memref<80x125xi32, #tpu.memory_space<vmem>> -> memref<1x125xi32, #tpu.memory_space<vmem>>
          %dma_start3A_131 = tpu.memref_squeeze %dma_start3A_130 : memref<1x125xi32, #tpu.memory_space<vmem>> -> memref<125xi32, #tpu.memory_space<vmem>>
          %dma_start3A_132 = arith.constant 0 : i32
          %dma_start3A_133 = arith.constant 0 : i32
          %dma_start3A_134 = tpu.memref_slice %arg11[%dma_start3A_132, %dma_start3A_133] : memref<10000x128xf32, #tpu.memory_space<vmem_shared>> -> memref<10000x128xf32, #tpu.memory_space<vmem_shared>>
          tpu.enqueue_indirect_dma source(%arg9 : memref<125x128xf32, #tpu.memory_space<vmem>>) target(%dma_start3A_134 : memref<10000x128xf32, #tpu.memory_space<vmem_shared>>) offsets(%dma_start3A_131 : memref<125xi32, #tpu.memory_space<vmem>>) semaphore(%run_scoped3A : memref<!tpu.dma_semaphore, #tpu.memory_space<semaphore_mem>>) {add = true}
          %dma_wait3A_135 = arith.constant 0 : i32
          %dma_wait3A_136 = tpu.memref_slice %arg8[%mul3A_96, %dma_wait3A_135] : memref<80x125xi32, #tpu.memory_space<vmem>> -> memref<1x125xi32, #tpu.memory_space<vmem>>
          %dma_wait3A_137 = tpu.memref_squeeze %dma_wait3A_136 : memref<1x125xi32, #tpu.memory_space<vmem>> -> memref<125xi32, #tpu.memory_space<vmem>>
          %dma_wait3A_138 = arith.constant 0 : i32
          %dma_wait3A_139 = arith.constant 0 : i32
          %dma_wait3A_140 = tpu.memref_slice %arg11[%dma_wait3A_138, %dma_wait3A_139] : memref<10000x128xf32, #tpu.memory_space<vmem_shared>> -> memref<10000x128xf32, #tpu.memory_space<vmem_shared>>
          tpu.wait_indirect_dma semaphore(%run_scoped3A : memref<!tpu.dma_semaphore, #tpu.memory_space<semaphore_mem>>) src(%arg9 : memref<125x128xf32, #tpu.memory_space<vmem>>) dst(%dma_wait3A_140 : memref<10000x128xf32, #tpu.memory_space<vmem_shared>>)
          tpu.yield
        }) : () -> ()
        %dma_wait3A_114 = arith.constant 0 : i32
        %dma_wait3A_115 = arith.constant 0 : i32
        %dma_wait3A_116 = tpu.memref_slice %arg4[%dma_wait3A_114, %dma_wait3A_115] : memref<80000x128xf32, #tpu.memory_space<hbm>> -> memref<125x128xf32, #tpu.memory_space<hbm>>
        %dma_wait3A_117 = arith.constant 0 : i32
        %dma_wait3A_118 = arith.constant 0 : i32
        %dma_wait3A_119 = tpu.memref_slice %arg4[%dma_wait3A_117, %dma_wait3A_118] : memref<80000x128xf32, #tpu.memory_space<hbm>> -> memref<125x128xf32, #tpu.memory_space<hbm>>
        tpu.wait_dma2 semaphore(%arg13 : memref<!tpu.dma_semaphore, #tpu.memory_space<semaphore_mem>>) src(%dma_wait3A_119 : memref<125x128xf32, #tpu.memory_space<hbm>>) dst(%arg10 : memref<125x128xf32, #tpu.memory_space<vmem>>)
        %add3A_120 = arith.constant 2 : i32
        %add3A_121 = arith.addi %mul3A_96, %add3A_120 : i32
        %lt3A_122 = arith.constant 80 : i32
        %lt3A_123 = arith.cmpi slt, %add3A_121, %lt3A_122 : i32
        %convert_element_type3A_124 = arith.extui %lt3A_123 : i1 to i32
        %cond3A_125 = arith.constant 0 : i32
        %cond3A_126 = arith.cmpi ne, %convert_element_type3A_124, %cond3A_125 : i32
        scf.if %cond3A_126 {
          %add3A_129 = arith.constant 2 : i32
          %add3A_130 = arith.addi %mul3A_96, %add3A_129 : i32
          %mul3A_131 = arith.constant 80 : i32
          %mul3A_132 = arith.muli %select_n3A_30, %mul3A_131 : i32
          %add3A_133 = arith.addi %mul3A_132, %add3A_130 : i32
          %mul3A_134 = arith.constant 125 : i32
          %mul3A_135 = arith.muli %add3A_133, %mul3A_134 : i32
          %dma_start3A_136 = arith.constant 0 : i32
          %dma_start3A_137 = tpu.memref_slice %arg4[%mul3A_135, %dma_start3A_136] : memref<80000x128xf32, #tpu.memory_space<hbm>> -> memref<125x128xf32, #tpu.memory_space<hbm>>
          %dma_start3A_138 = arith.constant 0 : i32
          %dma_start3A_139 = tpu.memref_slice %arg4[%mul3A_135, %dma_start3A_138] : memref<80000x128xf32, #tpu.memory_space<hbm>> -> memref<125x128xf32, #tpu.memory_space<hbm>>
          tpu.enqueue_dma source(%dma_start3A_139 : memref<125x128xf32, #tpu.memory_space<hbm>>) target(%arg9 : memref<125x128xf32, #tpu.memory_space<vmem>>) target_semaphore(%arg12 : memref<!tpu.dma_semaphore, #tpu.memory_space<semaphore_mem>>)
        } else {
        }
        %add3A_127 = arith.constant 1 : i32
        %add3A_128 = arith.addi %mul3A_96, %add3A_127 : i32
        "tpu.region"() ({
          %run_scoped3A = tpu.sem_alloc : memref<!tpu.dma_semaphore, #tpu.memory_space<semaphore_mem>>
          %dma_start3A_129 = arith.constant 0 : i32
          %dma_start3A_130 = tpu.memref_slice %arg8[%add3A_128, %dma_start3A_129] : memref<80x125xi32, #tpu.memory_space<vmem>> -> memref<1x125xi32, #tpu.memory_space<vmem>>
          %dma_start3A_131 = tpu.memref_squeeze %dma_start3A_130 : memref<1x125xi32, #tpu.memory_space<vmem>> -> memref<125xi32, #tpu.memory_space<vmem>>
          %dma_start3A_132 = arith.constant 0 : i32
          %dma_start3A_133 = arith.constant 0 : i32
          %dma_start3A_134 = tpu.memref_slice %arg11[%dma_start3A_132, %dma_start3A_133] : memref<10000x128xf32, #tpu.memory_space<vmem_shared>> -> memref<10000x128xf32, #tpu.memory_space<vmem_shared>>
          tpu.enqueue_indirect_dma source(%arg10 : memref<125x128xf32, #tpu.memory_space<vmem>>) target(%dma_start3A_134 : memref<10000x128xf32, #tpu.memory_space<vmem_shared>>) offsets(%dma_start3A_131 : memref<125xi32, #tpu.memory_space<vmem>>) semaphore(%run_scoped3A : memref<!tpu.dma_semaphore, #tpu.memory_space<semaphore_mem>>) {add = true}
          %dma_wait3A_135 = arith.constant 0 : i32
          %dma_wait3A_136 = tpu.memref_slice %arg8[%add3A_128, %dma_wait3A_135] : memref<80x125xi32, #tpu.memory_space<vmem>> -> memref<1x125xi32, #tpu.memory_space<vmem>>
          %dma_wait3A_137 = tpu.memref_squeeze %dma_wait3A_136 : memref<1x125xi32, #tpu.memory_space<vmem>> -> memref<125xi32, #tpu.memory_space<vmem>>
          %dma_wait3A_138 = arith.constant 0 : i32
          %dma_wait3A_139 = arith.constant 0 : i32
          %dma_wait3A_140 = tpu.memref_slice %arg11[%dma_wait3A_138, %dma_wait3A_139] : memref<10000x128xf32, #tpu.memory_space<vmem_shared>> -> memref<10000x128xf32, #tpu.memory_space<vmem_shared>>
          tpu.wait_indirect_dma semaphore(%run_scoped3A : memref<!tpu.dma_semaphore, #tpu.memory_space<semaphore_mem>>) src(%arg10 : memref<125x128xf32, #tpu.memory_space<vmem>>) dst(%dma_wait3A_140 : memref<10000x128xf32, #tpu.memory_space<vmem_shared>>)
          tpu.yield
        }) : () -> ()
      }
      %scan3A_89 = arith.constant 40 : i32
    } else {
    }
    %eq3A_65 = arith.constant 3 : i32
    %eq3A_66 = arith.cmpi eq, %select_n3A, %eq3A_65 : i32
    %convert_element_type3A_67 = arith.extui %eq3A_66 : i1 to i32
    %cond3A_68 = arith.constant 0 : i32
    %cond3A_69 = arith.cmpi ne, %convert_element_type3A_67, %cond3A_68 : i32
    scf.if %cond3A_69 {
      %mul3A_75 = arith.constant 80 : i32
      %mul3A_76 = arith.muli %select_n3A_30, %mul3A_75 : i32
      %add3A_77 = arith.constant 0 : i32
      %add3A_78 = arith.addi %mul3A_76, %add3A_77 : i32
      %mul3A_79 = arith.constant 125 : i32
      %mul3A_80 = arith.muli %add3A_78, %mul3A_79 : i32
      %dma_start3A_81 = arith.constant 0 : i32
      %dma_start3A_82 = tpu.memref_slice %arg5[%mul3A_80, %dma_start3A_81] : memref<80000x128xf32, #tpu.memory_space<hbm>> -> memref<125x128xf32, #tpu.memory_space<hbm>>
      %dma_start3A_83 = arith.constant 0 : i32
      %dma_start3A_84 = tpu.memref_slice %arg5[%mul3A_80, %dma_start3A_83] : memref<80000x128xf32, #tpu.memory_space<hbm>> -> memref<125x128xf32, #tpu.memory_space<hbm>>
      tpu.enqueue_dma source(%dma_start3A_84 : memref<125x128xf32, #tpu.memory_space<hbm>>) target(%arg9 : memref<125x128xf32, #tpu.memory_space<vmem>>) target_semaphore(%arg12 : memref<!tpu.dma_semaphore, #tpu.memory_space<semaphore_mem>>)
      %scan3A_85 = arith.constant 0 : i32
      %scan3A_86 = arith.constant 40 : i32
      %scan3A_87 = arith.addi %scan3A_85, %scan3A_86 : i32
      %scan3A_88 = arith.constant 1 : i32
      scf.for %scan3A_90 = %scan3A_85 to %scan3A_87 step %scan3A_88  : i32 {
        %mul3A_91 = arith.constant 1 : i32
        %mul3A_92 = arith.muli %scan3A_90, %mul3A_91 : i32
        %add3A_93 = arith.constant 0 : i32
        %add3A_94 = arith.addi %add3A_93, %mul3A_92 : i32
        %mul3A_95 = arith.constant 2 : i32
        %mul3A_96 = arith.muli %mul3A_95, %add3A_94 : i32
        %dma_wait3A_97 = arith.constant 0 : i32
        %dma_wait3A_98 = arith.constant 0 : i32
        %dma_wait3A_99 = tpu.memref_slice %arg5[%dma_wait3A_97, %dma_wait3A_98] : memref<80000x128xf32, #tpu.memory_space<hbm>> -> memref<125x128xf32, #tpu.memory_space<hbm>>
        %dma_wait3A_100 = arith.constant 0 : i32
        %dma_wait3A_101 = arith.constant 0 : i32
        %dma_wait3A_102 = tpu.memref_slice %arg5[%dma_wait3A_100, %dma_wait3A_101] : memref<80000x128xf32, #tpu.memory_space<hbm>> -> memref<125x128xf32, #tpu.memory_space<hbm>>
        tpu.wait_dma2 semaphore(%arg12 : memref<!tpu.dma_semaphore, #tpu.memory_space<semaphore_mem>>) src(%dma_wait3A_102 : memref<125x128xf32, #tpu.memory_space<hbm>>) dst(%arg9 : memref<125x128xf32, #tpu.memory_space<vmem>>)
        %add3A_103 = arith.constant 1 : i32
        %add3A_104 = arith.addi %mul3A_96, %add3A_103 : i32
        %mul3A_105 = arith.constant 80 : i32
        %mul3A_106 = arith.muli %select_n3A_30, %mul3A_105 : i32
        %add3A_107 = arith.addi %mul3A_106, %add3A_104 : i32
        %mul3A_108 = arith.constant 125 : i32
        %mul3A_109 = arith.muli %add3A_107, %mul3A_108 : i32
        %dma_start3A_110 = arith.constant 0 : i32
        %dma_start3A_111 = tpu.memref_slice %arg5[%mul3A_109, %dma_start3A_110] : memref<80000x128xf32, #tpu.memory_space<hbm>> -> memref<125x128xf32, #tpu.memory_space<hbm>>
        %dma_start3A_112 = arith.constant 0 : i32
        %dma_start3A_113 = tpu.memref_slice %arg5[%mul3A_109, %dma_start3A_112] : memref<80000x128xf32, #tpu.memory_space<hbm>> -> memref<125x128xf32, #tpu.memory_space<hbm>>
        tpu.enqueue_dma source(%dma_start3A_113 : memref<125x128xf32, #tpu.memory_space<hbm>>) target(%arg10 : memref<125x128xf32, #tpu.memory_space<vmem>>) target_semaphore(%arg13 : memref<!tpu.dma_semaphore, #tpu.memory_space<semaphore_mem>>)
        "tpu.region"() ({
          %run_scoped3A = tpu.sem_alloc : memref<!tpu.dma_semaphore, #tpu.memory_space<semaphore_mem>>
          %dma_start3A_129 = arith.constant 0 : i32
          %dma_start3A_130 = tpu.memref_slice %arg8[%mul3A_96, %dma_start3A_129] : memref<80x125xi32, #tpu.memory_space<vmem>> -> memref<1x125xi32, #tpu.memory_space<vmem>>
          %dma_start3A_131 = tpu.memref_squeeze %dma_start3A_130 : memref<1x125xi32, #tpu.memory_space<vmem>> -> memref<125xi32, #tpu.memory_space<vmem>>
          %dma_start3A_132 = arith.constant 0 : i32
          %dma_start3A_133 = arith.constant 0 : i32
          %dma_start3A_134 = tpu.memref_slice %arg11[%dma_start3A_132, %dma_start3A_133] : memref<10000x128xf32, #tpu.memory_space<vmem_shared>> -> memref<10000x128xf32, #tpu.memory_space<vmem_shared>>
          tpu.enqueue_indirect_dma source(%arg9 : memref<125x128xf32, #tpu.memory_space<vmem>>) target(%dma_start3A_134 : memref<10000x128xf32, #tpu.memory_space<vmem_shared>>) offsets(%dma_start3A_131 : memref<125xi32, #tpu.memory_space<vmem>>) semaphore(%run_scoped3A : memref<!tpu.dma_semaphore, #tpu.memory_space<semaphore_mem>>) {add = true}
          %dma_wait3A_135 = arith.constant 0 : i32
          %dma_wait3A_136 = tpu.memref_slice %arg8[%mul3A_96, %dma_wait3A_135] : memref<80x125xi32, #tpu.memory_space<vmem>> -> memref<1x125xi32, #tpu.memory_space<vmem>>
          %dma_wait3A_137 = tpu.memref_squeeze %dma_wait3A_136 : memref<1x125xi32, #tpu.memory_space<vmem>> -> memref<125xi32, #tpu.memory_space<vmem>>
          %dma_wait3A_138 = arith.constant 0 : i32
          %dma_wait3A_139 = arith.constant 0 : i32
          %dma_wait3A_140 = tpu.memref_slice %arg11[%dma_wait3A_138, %dma_wait3A_139] : memref<10000x128xf32, #tpu.memory_space<vmem_shared>> -> memref<10000x128xf32, #tpu.memory_space<vmem_shared>>
          tpu.wait_indirect_dma semaphore(%run_scoped3A : memref<!tpu.dma_semaphore, #tpu.memory_space<semaphore_mem>>) src(%arg9 : memref<125x128xf32, #tpu.memory_space<vmem>>) dst(%dma_wait3A_140 : memref<10000x128xf32, #tpu.memory_space<vmem_shared>>)
          tpu.yield
        }) : () -> ()
        %dma_wait3A_114 = arith.constant 0 : i32
        %dma_wait3A_115 = arith.constant 0 : i32
        %dma_wait3A_116 = tpu.memref_slice %arg5[%dma_wait3A_114, %dma_wait3A_115] : memref<80000x128xf32, #tpu.memory_space<hbm>> -> memref<125x128xf32, #tpu.memory_space<hbm>>
        %dma_wait3A_117 = arith.constant 0 : i32
        %dma_wait3A_118 = arith.constant 0 : i32
        %dma_wait3A_119 = tpu.memref_slice %arg5[%dma_wait3A_117, %dma_wait3A_118] : memref<80000x128xf32, #tpu.memory_space<hbm>> -> memref<125x128xf32, #tpu.memory_space<hbm>>
        tpu.wait_dma2 semaphore(%arg13 : memref<!tpu.dma_semaphore, #tpu.memory_space<semaphore_mem>>) src(%dma_wait3A_119 : memref<125x128xf32, #tpu.memory_space<hbm>>) dst(%arg10 : memref<125x128xf32, #tpu.memory_space<vmem>>)
        %add3A_120 = arith.constant 2 : i32
        %add3A_121 = arith.addi %mul3A_96, %add3A_120 : i32
        %lt3A_122 = arith.constant 80 : i32
        %lt3A_123 = arith.cmpi slt, %add3A_121, %lt3A_122 : i32
        %convert_element_type3A_124 = arith.extui %lt3A_123 : i1 to i32
        %cond3A_125 = arith.constant 0 : i32
        %cond3A_126 = arith.cmpi ne, %convert_element_type3A_124, %cond3A_125 : i32
        scf.if %cond3A_126 {
          %add3A_129 = arith.constant 2 : i32
          %add3A_130 = arith.addi %mul3A_96, %add3A_129 : i32
          %mul3A_131 = arith.constant 80 : i32
          %mul3A_132 = arith.muli %select_n3A_30, %mul3A_131 : i32
          %add3A_133 = arith.addi %mul3A_132, %add3A_130 : i32
          %mul3A_134 = arith.constant 125 : i32
          %mul3A_135 = arith.muli %add3A_133, %mul3A_134 : i32
          %dma_start3A_136 = arith.constant 0 : i32
          %dma_start3A_137 = tpu.memref_slice %arg5[%mul3A_135, %dma_start3A_136] : memref<80000x128xf32, #tpu.memory_space<hbm>> -> memref<125x128xf32, #tpu.memory_space<hbm>>
          %dma_start3A_138 = arith.constant 0 : i32
          %dma_start3A_139 = tpu.memref_slice %arg5[%mul3A_135, %dma_start3A_138] : memref<80000x128xf32, #tpu.memory_space<hbm>> -> memref<125x128xf32, #tpu.memory_space<hbm>>
          tpu.enqueue_dma source(%dma_start3A_139 : memref<125x128xf32, #tpu.memory_space<hbm>>) target(%arg9 : memref<125x128xf32, #tpu.memory_space<vmem>>) target_semaphore(%arg12 : memref<!tpu.dma_semaphore, #tpu.memory_space<semaphore_mem>>)
        } else {
        }
        %add3A_127 = arith.constant 1 : i32
        %add3A_128 = arith.addi %mul3A_96, %add3A_127 : i32
        "tpu.region"() ({
          %run_scoped3A = tpu.sem_alloc : memref<!tpu.dma_semaphore, #tpu.memory_space<semaphore_mem>>
          %dma_start3A_129 = arith.constant 0 : i32
          %dma_start3A_130 = tpu.memref_slice %arg8[%add3A_128, %dma_start3A_129] : memref<80x125xi32, #tpu.memory_space<vmem>> -> memref<1x125xi32, #tpu.memory_space<vmem>>
          %dma_start3A_131 = tpu.memref_squeeze %dma_start3A_130 : memref<1x125xi32, #tpu.memory_space<vmem>> -> memref<125xi32, #tpu.memory_space<vmem>>
          %dma_start3A_132 = arith.constant 0 : i32
          %dma_start3A_133 = arith.constant 0 : i32
          %dma_start3A_134 = tpu.memref_slice %arg11[%dma_start3A_132, %dma_start3A_133] : memref<10000x128xf32, #tpu.memory_space<vmem_shared>> -> memref<10000x128xf32, #tpu.memory_space<vmem_shared>>
          tpu.enqueue_indirect_dma source(%arg10 : memref<125x128xf32, #tpu.memory_space<vmem>>) target(%dma_start3A_134 : memref<10000x128xf32, #tpu.memory_space<vmem_shared>>) offsets(%dma_start3A_131 : memref<125xi32, #tpu.memory_space<vmem>>) semaphore(%run_scoped3A : memref<!tpu.dma_semaphore, #tpu.memory_space<semaphore_mem>>) {add = true}
          %dma_wait3A_135 = arith.constant 0 : i32
          %dma_wait3A_136 = tpu.memref_slice %arg8[%add3A_128, %dma_wait3A_135] : memref<80x125xi32, #tpu.memory_space<vmem>> -> memref<1x125xi32, #tpu.memory_space<vmem>>
          %dma_wait3A_137 = tpu.memref_squeeze %dma_wait3A_136 : memref<1x125xi32, #tpu.memory_space<vmem>> -> memref<125xi32, #tpu.memory_space<vmem>>
          %dma_wait3A_138 = arith.constant 0 : i32
          %dma_wait3A_139 = arith.constant 0 : i32
          %dma_wait3A_140 = tpu.memref_slice %arg11[%dma_wait3A_138, %dma_wait3A_139] : memref<10000x128xf32, #tpu.memory_space<vmem_shared>> -> memref<10000x128xf32, #tpu.memory_space<vmem_shared>>
          tpu.wait_indirect_dma semaphore(%run_scoped3A : memref<!tpu.dma_semaphore, #tpu.memory_space<semaphore_mem>>) src(%arg10 : memref<125x128xf32, #tpu.memory_space<vmem>>) dst(%dma_wait3A_140 : memref<10000x128xf32, #tpu.memory_space<vmem_shared>>)
          tpu.yield
        }) : () -> ()
      }
      %scan3A_89 = arith.constant 40 : i32
    } else {
    }
    %barrier3A_70 = arith.constant 0 : index
    tpu.barrier barrier_id(%barrier3A_70)
    %mul3A_71 = arith.constant 625 : i32
    %mul3A_72 = arith.muli %arg1, %mul3A_71 : i32
    %mul3A_73 = arith.constant 625 : i32
    %mul3A_74 = arith.muli %arg1, %mul3A_73 : i32
    "tpu.region"() ({
      %run_scoped3A = tpu.sem_alloc : memref<!tpu.dma_semaphore, #tpu.memory_space<semaphore_mem>>
      %dma_start3A_75 = arith.constant 0 : i32
      %dma_start3A_76 = tpu.memref_slice %arg7[%arg0, %mul3A_74, %dma_start3A_75] : memref<2x10000x128xf32, #tpu.memory_space<hbm>> -> memref<1x625x128xf32, #tpu.memory_space<hbm>>
      %dma_start3A_77 = tpu.memref_squeeze %dma_start3A_76 : memref<1x625x128xf32, #tpu.memory_space<hbm>> -> memref<625x128xf32, #tpu.memory_space<hbm>>
      %dma_start3A_78 = arith.constant 0 : i32
      %dma_start3A_79 = tpu.memref_slice %arg11[%mul3A_72, %dma_start3A_78] : memref<10000x128xf32, #tpu.memory_space<vmem_shared>> -> memref<625x128xf32, #tpu.memory_space<vmem_shared>>
      tpu.enqueue_dma source(%dma_start3A_79 : memref<625x128xf32, #tpu.memory_space<vmem_shared>>) target(%dma_start3A_77 : memref<625x128xf32, #tpu.memory_space<hbm>>) target_semaphore(%run_scoped3A : memref<!tpu.dma_semaphore, #tpu.memory_space<semaphore_mem>>)
      %dma_wait3A_80 = arith.constant 0 : i32
      %dma_wait3A_81 = tpu.memref_slice %arg7[%arg0, %mul3A_74, %dma_wait3A_80] : memref<2x10000x128xf32, #tpu.memory_space<hbm>> -> memref<1x625x128xf32, #tpu.memory_space<hbm>>
      %dma_wait3A_82 = tpu.memref_squeeze %dma_wait3A_81 : memref<1x625x128xf32, #tpu.memory_space<hbm>> -> memref<625x128xf32, #tpu.memory_space<hbm>>
      %dma_wait3A_83 = arith.constant 0 : i32
      %dma_wait3A_84 = tpu.memref_slice %arg11[%mul3A_72, %dma_wait3A_83] : memref<10000x128xf32, #tpu.memory_space<vmem_shared>> -> memref<625x128xf32, #tpu.memory_space<vmem_shared>>
      tpu.wait_dma2 semaphore(%run_scoped3A : memref<!tpu.dma_semaphore, #tpu.memory_space<semaphore_mem>>) src(%dma_wait3A_84 : memref<625x128xf32, #tpu.memory_space<vmem_shared>>) dst(%dma_wait3A_82 : memref<625x128xf32, #tpu.memory_space<hbm>>)
      tpu.yield
    }) : () -> ()
    return
  }
}

module attributes {stable_mosaic.version = 14 : i64} {
  func.func @_node_mlp_kernel(%arg0: memref<10000x128xf32, #tpu.memory_space<vmem>>, %arg1: memref<128x32xf32, #tpu.memory_space<vmem>>, %arg2: memref<32xf32, #tpu.memory_space<vmem>>, %arg3: memref<10000x32xf32, #tpu.memory_space<vmem>>) attributes {dimension_semantics = [], scalar_prefetch = 0 : i64, scratch_operands = 0 : i64, tpu.core_type = #tpu.core_type<tc>} {
    %get3A = arith.constant 0 : index
    %get3A_0 = arith.constant 0 : index
    %get3A_1 = vector.load %arg0[%get3A, %get3A_0] : memref<10000x128xf32, #tpu.memory_space<vmem>>, vector<10000x128xf32>
    %get3A_2 = arith.constant 0 : index
    %get3A_3 = arith.constant 0 : index
    %get3A_4 = vector.load %arg1[%get3A_2, %get3A_3] : memref<128x32xf32, #tpu.memory_space<vmem>>, vector<128x32xf32>
    %dot_general3A = arith.constant dense<0.000000e+00> : vector<10000x32xf32>
    %dot_general3A_5 = tpu.matmul %get3A_1, %get3A_4, %dot_general3A {dimension_numbers = #tpu.dot_dimension_numbers<[1], [0], [0], [1], [0, 0, 1, 1], [], []>, transpose_lhs_hint = false} : vector<10000x128xf32>, vector<128x32xf32>, vector<10000x32xf32> -> vector<10000x32xf32>
    %get3A_6 = arith.constant 0 : index
    %get3A_7 = vector.load %arg2[%get3A_6] : memref<32xf32, #tpu.memory_space<vmem>>, vector<32xf32>
    %broadcast_in_dim3A = vector.shape_cast %get3A_7 : vector<32xf32> to vector<1x32xf32>
    %add3A = vector.broadcast %broadcast_in_dim3A : vector<1x32xf32> to vector<10000x32xf32>
    %add3A_8 = arith.addf %dot_general3A_5, %add3A : vector<10000x32xf32>
    %swap3A = arith.constant 0 : index
    %swap3A_9 = arith.constant 0 : index
    %swap3A_10 = vector.load %arg3[%swap3A, %swap3A_9] : memref<10000x32xf32, #tpu.memory_space<vmem>>, vector<10000x32xf32>
    tpu.vector_store %arg3[%swap3A, %swap3A_9], %add3A_8 {strides = array<i32>} : memref<10000x32xf32, #tpu.memory_space<vmem>>, vector<10000x32xf32>,
    return
  }
}

module attributes {stable_mosaic.version = 14 : i64} {
  func.func @_edge_mlp_kernel(%arg0: i32, %arg1: memref<1000x128xf32, #tpu.memory_space<vmem>>, %arg2: memref<1000x64xf32, #tpu.memory_space<vmem>>, %arg3: memref<64x128xf32, #tpu.memory_space<vmem>>, %arg4: memref<4x128x128xf32, #tpu.memory_space<vmem>>, %arg5: memref<1x128xf32, #tpu.memory_space<vmem>>, %arg6: memref<1000x128xf32, #tpu.memory_space<vmem>>, %arg7: memref<1000x128xf32, #tpu.memory_space<vmem>>, %arg8: memref<1000x128xf32, #tpu.memory_space<vmem>>, %arg9: memref<1000x128xf32, #tpu.memory_space<vmem>>) attributes {dimension_semantics = [#tpu.dimension_semantics<arbitrary>], iteration_bounds = array<i64: 80>, scalar_prefetch = 0 : i64, scratch_operands = 0 : i64, tpu.core_type = #tpu.core_type<tc>, window_params = [{transform_indices = @transform_0, window_bounds = array<i64: 1000, 128>}, {transform_indices = @transform_1, window_bounds = array<i64: 1000, 64>}, {pipeline_mode = #tpu.pipeline_mode<synchronous>, transform_indices = @transform_2, window_bounds = array<i64: 64, 128>}, {pipeline_mode = #tpu.pipeline_mode<synchronous>, transform_indices = @transform_3, window_bounds = array<i64: 4, 128, 128>}, {pipeline_mode = #tpu.pipeline_mode<synchronous>, transform_indices = @transform_4, window_bounds = array<i64: 1, 128>}, {transform_indices = @transform_5, window_bounds = array<i64: 1000, 128>}, {transform_indices = @transform_6, window_bounds = array<i64: 1000, 128>}, {transform_indices = @transform_7, window_bounds = array<i64: 1000, 128>}, {transform_indices = @transform_8, window_bounds = array<i64: 1000, 128>}]} {
    %get3A = arith.constant 0 : index
    %get3A_0 = arith.constant 0 : index
    %get3A_1 = vector.load %arg2[%get3A, %get3A_0] : memref<1000x64xf32, #tpu.memory_space<vmem>>, vector<1000x64xf32>
    %get3A_2 = arith.constant 0 : index
    %get3A_3 = arith.constant 0 : index
    %get3A_4 = vector.load %arg3[%get3A_2, %get3A_3] : memref<64x128xf32, #tpu.memory_space<vmem>>, vector<64x128xf32>
    %dot_general3A = arith.constant dense<0.000000e+00> : vector<1000x128xf32>
    %dot_general3A_5 = tpu.matmul %get3A_1, %get3A_4, %dot_general3A {dimension_numbers = #tpu.dot_dimension_numbers<[1], [0], [0], [1], [0, 0, 1, 1], [], []>, transpose_lhs_hint = false} : vector<1000x64xf32>, vector<64x128xf32>, vector<1000x128xf32> -> vector<1000x128xf32>
    %get3A_6 = arith.constant 0 : index
    %get3A_7 = arith.constant 0 : index
    %get3A_8 = vector.load %arg1[%get3A_6, %get3A_7] : memref<1000x128xf32, #tpu.memory_space<vmem>>, vector<1000x128xf32>
    %add3A = arith.addf %get3A_8, %dot_general3A_5 : vector<1000x128xf32>
    %max3A = arith.constant 0.000000e+00 : f32
    %max3A_9 = vector.broadcast %max3A : f32 to vector<1000x128xf32>
    %max3A_10 = arith.maximumf %add3A, %max3A_9 : vector<1000x128xf32>
    %get3A_11 = arith.constant 0 : index
    %get3A_12 = arith.constant 0 : index
    %get3A_13 = arith.constant 0 : index
    %get3A_14 = vector.load %arg4[%get3A_11, %get3A_12, %get3A_13] : memref<4x128x128xf32, #tpu.memory_space<vmem>>, vector<1x128x128xf32>
    %get3A_15 = vector.shape_cast %get3A_14 : vector<1x128x128xf32> to vector<128x128xf32>
    %dot_general3A_16 = arith.constant dense<0.000000e+00> : vector<1000x128xf32>
    %dot_general3A_17 = tpu.matmul %max3A_10, %get3A_15, %dot_general3A_16 {dimension_numbers = #tpu.dot_dimension_numbers<[1], [0], [0], [1], [0, 0, 1, 1], [], []>, transpose_lhs_hint = false} : vector<1000x128xf32>, vector<128x128xf32>, vector<1000x128xf32> -> vector<1000x128xf32>
    %get3A_18 = arith.constant 0 : index
    %get3A_19 = arith.constant 0 : index
    %get3A_20 = vector.load %arg5[%get3A_18, %get3A_19] : memref<1x128xf32, #tpu.memory_space<vmem>>, vector<1x128xf32>
    %add3A_21 = vector.broadcast %get3A_20 : vector<1x128xf32> to vector<1000x128xf32>
    %add3A_22 = arith.addf %dot_general3A_17, %add3A_21 : vector<1000x128xf32>
    %max3A_23 = arith.constant 0.000000e+00 : f32
    %max3A_24 = vector.broadcast %max3A_23 : f32 to vector<1000x128xf32>
    %max3A_25 = arith.maximumf %add3A_22, %max3A_24 : vector<1000x128xf32>
    %swap3A = arith.constant 0 : index
    %swap3A_26 = arith.constant 0 : index
    %swap3A_27 = vector.load %arg6[%swap3A, %swap3A_26] : memref<1000x128xf32, #tpu.memory_space<vmem>>, vector<1000x128xf32>
    tpu.vector_store %arg6[%swap3A, %swap3A_26], %max3A_25 {strides = array<i32>} : memref<1000x128xf32, #tpu.memory_space<vmem>>, vector<1000x128xf32>,
    %get3A_28 = arith.constant 1 : index
    %get3A_29 = arith.constant 0 : index
    %get3A_30 = arith.constant 0 : index
    %get3A_31 = vector.load %arg4[%get3A_28, %get3A_29, %get3A_30] : memref<4x128x128xf32, #tpu.memory_space<vmem>>, vector<1x128x128xf32>
    %get3A_32 = vector.shape_cast %get3A_31 : vector<1x128x128xf32> to vector<128x128xf32>
    %dot_general3A_33 = arith.constant dense<0.000000e+00> : vector<1000x128xf32>
    %dot_general3A_34 = tpu.matmul %max3A_10, %get3A_32, %dot_general3A_33 {dimension_numbers = #tpu.dot_dimension_numbers<[1], [0], [0], [1], [0, 0, 1, 1], [], []>, transpose_lhs_hint = false} : vector<1000x128xf32>, vector<128x128xf32>, vector<1000x128xf32> -> vector<1000x128xf32>
    %get3A_35 = arith.constant 0 : index
    %get3A_36 = arith.constant 0 : index
    %get3A_37 = vector.load %arg5[%get3A_35, %get3A_36] : memref<1x128xf32, #tpu.memory_space<vmem>>, vector<1x128xf32>
    %add3A_38 = vector.broadcast %get3A_37 : vector<1x128xf32> to vector<1000x128xf32>
    %add3A_39 = arith.addf %dot_general3A_34, %add3A_38 : vector<1000x128xf32>
    %max3A_40 = arith.constant 0.000000e+00 : f32
    %max3A_41 = vector.broadcast %max3A_40 : f32 to vector<1000x128xf32>
    %max3A_42 = arith.maximumf %add3A_39, %max3A_41 : vector<1000x128xf32>
    %swap3A_43 = arith.constant 0 : index
    %swap3A_44 = arith.constant 0 : index
    %swap3A_45 = vector.load %arg7[%swap3A_43, %swap3A_44] : memref<1000x128xf32, #tpu.memory_space<vmem>>, vector<1000x128xf32>
    tpu.vector_store %arg7[%swap3A_43, %swap3A_44], %max3A_42 {strides = array<i32>} : memref<1000x128xf32, #tpu.memory_space<vmem>>, vector<1000x128xf32>,
    %get3A_46 = arith.constant 2 : index
    %get3A_47 = arith.constant 0 : index
    %get3A_48 = arith.constant 0 : index
    %get3A_49 = vector.load %arg4[%get3A_46, %get3A_47, %get3A_48] : memref<4x128x128xf32, #tpu.memory_space<vmem>>, vector<1x128x128xf32>
    %get3A_50 = vector.shape_cast %get3A_49 : vector<1x128x128xf32> to vector<128x128xf32>
    %dot_general3A_51 = arith.constant dense<0.000000e+00> : vector<1000x128xf32>
    %dot_general3A_52 = tpu.matmul %max3A_10, %get3A_50, %dot_general3A_51 {dimension_numbers = #tpu.dot_dimension_numbers<[1], [0], [0], [1], [0, 0, 1, 1], [], []>, transpose_lhs_hint = false} : vector<1000x128xf32>, vector<128x128xf32>, vector<1000x128xf32> -> vector<1000x128xf32>
    %get3A_53 = arith.constant 0 : index
    %get3A_54 = arith.constant 0 : index
    %get3A_55 = vector.load %arg5[%get3A_53, %get3A_54] : memref<1x128xf32, #tpu.memory_space<vmem>>, vector<1x128xf32>
    %add3A_56 = vector.broadcast %get3A_55 : vector<1x128xf32> to vector<1000x128xf32>
    %add3A_57 = arith.addf %dot_general3A_52, %add3A_56 : vector<1000x128xf32>
    %max3A_58 = arith.constant 0.000000e+00 : f32
    %max3A_59 = vector.broadcast %max3A_58 : f32 to vector<1000x128xf32>
    %max3A_60 = arith.maximumf %add3A_57, %max3A_59 : vector<1000x128xf32>
    %swap3A_61 = arith.constant 0 : index
    %swap3A_62 = arith.constant 0 : index
    %swap3A_63 = vector.load %arg8[%swap3A_61, %swap3A_62] : memref<1000x128xf32, #tpu.memory_space<vmem>>, vector<1000x128xf32>
    tpu.vector_store %arg8[%swap3A_61, %swap3A_62], %max3A_60 {strides = array<i32>} : memref<1000x128xf32, #tpu.memory_space<vmem>>, vector<1000x128xf32>,
    %get3A_64 = arith.constant 3 : index
    %get3A_65 = arith.constant 0 : index
    %get3A_66 = arith.constant 0 : index
    %get3A_67 = vector.load %arg4[%get3A_64, %get3A_65, %get3A_66] : memref<4x128x128xf32, #tpu.memory_space<vmem>>, vector<1x128x128xf32>
    %get3A_68 = vector.shape_cast %get3A_67 : vector<1x128x128xf32> to vector<128x128xf32>
    %dot_general3A_69 = arith.constant dense<0.000000e+00> : vector<1000x128xf32>
    %dot_general3A_70 = tpu.matmul %max3A_10, %get3A_68, %dot_general3A_69 {dimension_numbers = #tpu.dot_dimension_numbers<[1], [0], [0], [1], [0, 0, 1, 1], [], []>, transpose_lhs_hint = false} : vector<1000x128xf32>, vector<128x128xf32>, vector<1000x128xf32> -> vector<1000x128xf32>
    %get3A_71 = arith.constant 0 : index
    %get3A_72 = arith.constant 0 : index
    %get3A_73 = vector.load %arg5[%get3A_71, %get3A_72] : memref<1x128xf32, #tpu.memory_space<vmem>>, vector<1x128xf32>
    %add3A_74 = vector.broadcast %get3A_73 : vector<1x128xf32> to vector<1000x128xf32>
    %add3A_75 = arith.addf %dot_general3A_70, %add3A_74 : vector<1000x128xf32>
    %max3A_76 = arith.constant 0.000000e+00 : f32
    %max3A_77 = vector.broadcast %max3A_76 : f32 to vector<1000x128xf32>
    %max3A_78 = arith.maximumf %add3A_75, %max3A_77 : vector<1000x128xf32>
    %swap3A_79 = arith.constant 0 : index
    %swap3A_80 = arith.constant 0 : index
    %swap3A_81 = vector.load %arg9[%swap3A_79, %swap3A_80] : memref<1000x128xf32, #tpu.memory_space<vmem>>, vector<1000x128xf32>
    tpu.vector_store %arg9[%swap3A_79, %swap3A_80], %max3A_78 {strides = array<i32>} : memref<1000x128xf32, #tpu.memory_space<vmem>>, vector<1000x128xf32>,
    return
  }
  func.func @transform_0(%arg0: i32) -> (i32, i32) {
    %c0_i32 = arith.constant 0 : i32
    %c0_i32_0 = arith.constant 0 : i32
    return %arg0, %c0_i32 : i32, i32
  }
  func.func @transform_1(%arg0: i32) -> (i32, i32) {
    %c0_i32 = arith.constant 0 : i32
    %c0_i32_0 = arith.constant 0 : i32
    return %arg0, %c0_i32 : i32, i32
  }
  func.func @transform_2(%arg0: i32) -> (i32, i32) {
    %c0_i32 = arith.constant 0 : i32
    %c0_i32_0 = arith.constant 0 : i32
    %c0_i32_1 = arith.constant 0 : i32
    return %c0_i32, %c0_i32_0 : i32, i32
  }
  func.func @transform_3(%arg0: i32) -> (i32, i32, i32) {
    %c0_i32 = arith.constant 0 : i32
    %c0_i32_0 = arith.constant 0 : i32
    %c0_i32_1 = arith.constant 0 : i32
    %c0_i32_2 = arith.constant 0 : i32
    return %c0_i32, %c0_i32_0, %c0_i32_1 : i32, i32, i32
  }
  func.func @transform_4(%arg0: i32) -> (i32, i32) {
    %c0_i32 = arith.constant 0 : i32
    %c0_i32_0 = arith.constant 0 : i32
    %c0_i32_1 = arith.constant 0 : i32
    return %c0_i32, %c0_i32_0 : i32, i32
  }
  func.func @transform_5(%arg0: i32) -> (i32, i32) {
    %c0_i32 = arith.constant 0 : i32
    %c0_i32_0 = arith.constant 0 : i32
    return %arg0, %c0_i32 : i32, i32
  }
  func.func @transform_6(%arg0: i32) -> (i32, i32) {
    %c0_i32 = arith.constant 0 : i32
    %c0_i32_0 = arith.constant 0 : i32
    return %arg0, %c0_i32 : i32, i32
  }
  func.func @transform_7(%arg0: i32) -> (i32, i32) {
    %c0_i32 = arith.constant 0 : i32
    %c0_i32_0 = arith.constant 0 : i32
    return %arg0, %c0_i32 : i32, i32
  }
  func.func @transform_8(%arg0: i32) -> (i32, i32) {
    %c0_i32 = arith.constant 0 : i32
    %c0_i32_0 = arith.constant 0 : i32
    return %arg0, %c0_i32 : i32, i32
  }
}

module attributes {stable_mosaic.version = 14 : i64} {
  func.func @_combine_kernel(%arg0: memref<2x10000x128xf32, #tpu.memory_space<vmem>>, %arg1: memref<32x10000xf32, #tpu.memory_space<vmem>>, %arg2: memref<10000x128xf32, #tpu.memory_space<vmem>>, %arg3: memref<10000x128xf32, #tpu.memory_space<vmem>>) attributes {dimension_semantics = [], scalar_prefetch = 0 : i64, scratch_operands = 0 : i64, tpu.core_type = #tpu.core_type<tc>} {
    %get3A = arith.constant 0 : index
    %get3A_0 = arith.constant 0 : index
    %get3A_1 = vector.load %arg1[%get3A, %get3A_0] : memref<32x10000xf32, #tpu.memory_space<vmem>>, vector<32x10000xf32>
    %reduce_sum3A = arith.constant dense<0.000000e+00> : vector<10000xf32>
    %reduce_sum3A_2 = vector.multi_reduction <add>, %get3A_1, %reduce_sum3A [0] : vector<32x10000xf32> to vector<10000xf32>
    %get3A_3 = arith.constant 0 : index
    %get3A_4 = arith.constant 0 : index
    %get3A_5 = arith.constant 0 : index
    %get3A_6 = vector.load %arg0[%get3A_3, %get3A_4, %get3A_5] : memref<2x10000x128xf32, #tpu.memory_space<vmem>>, vector<1x10000x128xf32>
    %get3A_7 = vector.shape_cast %get3A_6 : vector<1x10000x128xf32> to vector<10000x128xf32>
    %get3A_8 = arith.constant 1 : index
    %get3A_9 = arith.constant 0 : index
    %get3A_10 = arith.constant 0 : index
    %get3A_11 = vector.load %arg0[%get3A_8, %get3A_9, %get3A_10] : memref<2x10000x128xf32, #tpu.memory_space<vmem>>, vector<1x10000x128xf32>
    %get3A_12 = vector.shape_cast %get3A_11 : vector<1x10000x128xf32> to vector<10000x128xf32>
    %add3A = arith.addf %get3A_7, %get3A_12 : vector<10000x128xf32>
    %max3A = arith.constant 1.000000e+00 : f32
    %max3A_13 = vector.broadcast %max3A : f32 to vector<10000xf32>
    %max3A_14 = arith.maximumf %reduce_sum3A_2, %max3A_13 : vector<10000xf32>
    %div3A = arith.constant 1.000000e+00 : f32
    %div3A_15 = vector.broadcast %div3A : f32 to vector<10000xf32>
    %div3A_16 = arith.divf %div3A_15, %max3A_14 : vector<10000xf32>
    %reshape3A = vector.shape_cast %div3A_16 : vector<10000xf32> to vector<10000x1xf32>
    %mul3A = vector.broadcast %reshape3A : vector<10000x1xf32> to vector<10000x128xf32>
    %mul3A_17 = arith.mulf %add3A, %mul3A : vector<10000x128xf32>
    %get3A_18 = arith.constant 0 : index
    %get3A_19 = arith.constant 0 : index
    %get3A_20 = vector.load %arg2[%get3A_18, %get3A_19] : memref<10000x128xf32, #tpu.memory_space<vmem>>, vector<10000x128xf32>
    %add3A_21 = arith.addf %mul3A_17, %get3A_20 : vector<10000x128xf32>
    %swap3A = arith.constant 0 : index
    %swap3A_22 = arith.constant 0 : index
    %swap3A_23 = vector.load %arg3[%swap3A, %swap3A_22] : memref<10000x128xf32, #tpu.memory_space<vmem>>, vector<10000x128xf32>
    tpu.vector_store %arg3[%swap3A, %swap3A_22], %add3A_21 {strides = array<i32>} : memref<10000x128xf32, #tpu.memory_space<vmem>>, vector<10000x128xf32>,
    return
  }
}

</mosaic_0001>

<sc_bundles>
// kernel: kernel.10.cloned.1.call-start
scs
__scs_entry_jumppad:
0x0: {  	(pc) =	sbr.rel $0x88, $3  }
0x1: {  	(tag) =	ssettag $0x0;
	lr =	simm.s32 $0x1  }
0x2: {  	[smem:$0x3F9A] =	sst lr;
	_ =	strace $0xD0000000  }
0x3: {  	_ = 	snop  }
0x4: {  	_ = 	snop  }
0x5: {  	_ = 	snop  }
0x6: {  	_ = 	snop  }
0x7: {  	_ = 	snop  }
__scs_overlays_trampoline_lowered:
0x8: {  	[smem:$0x3FA9] =	sst s0  }
0x9: {  	[smem:$0x3FAA] =	sst s1  }
0xa: {  	[smem:$0x3FAB] =	sst s2  }
0xb: {  	[smem:$0x3FAC] =	sst s3  }
0xc: {  	[smem:$0x3FAD] =	sst s4  }
0xd: {  	[smem:$0x3FAE] =	sst s5  }
0xe: {  	[smem:$0x3FAF] =	sst s6  }
0xf: {  	[smem:$0x3FB0] =	sst s7  }
0x10: {  	[smem:$0x3FB1] =	sst s8  }
0x11: {  	[smem:$0x3FB2] =	sst s9;
	s0 =	simm.s32 @!p0 $0x0  }
0x12: {  	s1 =	sld [smem:$0x3F98];
	s0 =	simm.s32 @p0 $0x1  }
0x13: {  	[smem:$0x3FB3] =	sst s0;
	s0 =	simm.s32 @!p1 $0x0  }
0x14: {  	s2 =	sld [smem:$0x3F97];
	s0 =	simm.s32 @p1 $0x1  }
0x15: {  	[smem:$0x3FB4] =	sst s0;
	s0 =	simm.s32 @!p2 $0x0  }
0x16: {  	s3 =	sld [smem:$0x3FDB];
	s0 =	simm.s32 @p2 $0x1  }
0x17: {  	s4 =	simm.s32 $0x1BF5;
	[smem:$0x3FB6] =	sst s0  }
0x18: {  	s0 =	sld [smem:$0x3F99];
	_ =	swait.ge [sflag:s4], $0x0  }
0x19: {  	s7 =	sld [smem:$0x3F9A]  }
0x1a: {  	s8 =	sadd.s32 $0xFFFFE003, lr  }
0x1b: {  	s9 =	sadd.s32 $0xFFFFFEF7, lr;
	s5 =	simm.s32 $0xFFFFFFFF;
	p2 =	slt.u32 s8, $0xFFFFF086  }
0x1c: {  	p1 =	slt.u32 s9, $0xF7A;
	s5 =	simm.s32 @!p2 $0x0  }
0x1d: {  	s5 =	simm.s32 @p1 $0x1;
	p0 =	seq.s32 s7, s2  }
0x1e: {  	s7 =	smul.u32 @!p0 $0xF7A, s2;
	p2 =	seq.s32 @!p0 s5, $0x0  }
0x1f: {  	s9 =	smul.u32 $0xF7A, s1;
	s8 =	simm.s32 @!p0 $0x1BF5;
	p2 =	por !p2, p0  }
0x20: {  	[sflag:s8] =	ssyncset.s32 @!p0 $0xFFFFF086;
	s6 =	sadd.s32 @!p0 s3, s7;
	s7 =	simm.s32 @!p0 $0x108  }
0x21: {  	s3 =	sadd.s32 s3, s9;
	s6 =	sadd.s32 @!p0 $0x88, s6;
	s7 =	simm.s32 @p2 $0x1082  }
0x22: {  	[simem:s7], [sflag:s8] =	dma.local @!p0 [hbm:s6], $0xF7A  }
0x23: {  	s9 =	sor.u32 $0xD0000000, s2;
	s6 =	simm.s32 $0x108;
	_ =	swait.ge @!p0 [sflag:s8], $0x0  }
0x24: {  	s3 =	sadd.s32 $0x88, s3;
	s6 =	simm.s32 @!p1 $0x1082;
	[sflag:s4] =	ssyncset.s32 $0xFFFFF086  }
0x25: {  	[simem:s6], [sflag:s4] =	dma.local [hbm:s3], $0xF7A  }
0x26: {  	[smem:$0x3F9A] =	sst s1;
	(tag) =	ssettag s2;
	_ =	strace s9  }
0x27: {  	s1 =	sld [smem:$0x3FAA]  }
0x28: {  	s2 =	sld [smem:$0x3FAB]  }
0x29: {  	s4 =	sld [smem:$0x3FAD]  }
0x2a: {  	p0 =	seq.s32 s5, $0x0;
	s5 =	sld [smem:$0x3FAE]  }
0x2b: {  	s6 =	sld [smem:$0x3FAF]  }
0x2c: {  	s7 =	sld [smem:$0x3FB0]  }
0x2d: {  	s3 =	simm.s32 $0x108;
	s8 =	sld [smem:$0x3FB1]  }
0x2e: {  	s3 =	simm.s32 @!p0 $0x1082;
	s9 =	sld [smem:$0x3FB2]  }
0x2f: {  	lr =	sadd.s32 s0, s3;
	s0 =	sld [smem:$0x3FA9]  }
0x30: {  	s3 =	sld [smem:$0x3FAC]  }
0x31: {  	[smem:$0x3FB5] =	sst s10  }
0x32: {  	s10 =	sld [smem:$0x3FB3];
	_ =	sdelay $0x3  }
0x33: {  	p0 =	seq.s32 s10, $0x1;
	s10 =	sld [smem:$0x3FB5];
	_ =	sdelay $0x3  }
0x34: {  	[smem:$0x3FB5] =	sst s10  }
0x35: {  	s10 =	sld [smem:$0x3FB4];
	_ =	sdelay $0x3  }
0x36: {  	p1 =	seq.s32 s10, $0x1;
	s10 =	sld [smem:$0x3FB5];
	_ =	sdelay $0x3  }
0x37: {  	[smem:$0x3FB5] =	sst s10  }
0x38: {  	s10 =	sld [smem:$0x3FB6]  }
0x39: {  	_ = 	snop;
	(pc) =	sbr.ind lr, $3  }
0x3a: {  	_ = 	snop  }
0x3b: {  	_ = 	snop  }
0x3c: {  	p2 =	seq.s32 s10, $0x1;
	s10 =	sld [smem:$0x3FB5]  }
0x3d: {  	_ =	shalt  }
0x3e: {  	_ =	shalt  }
0x3f: {  	_ =	shalt  }
0x40: {  	_ =	shalt  }
0x41: {  	_ =	shalt  }
0x42: {  	_ =	shalt  }
0x43: {  	_ =	shalt  }
0x44: {  	_ =	shalt  }
0x45: {  	_ =	shalt  }
0x46: {  	_ =	shalt  }
0x47: {  	_ =	shalt  }
0x48: {  	_ =	shalt  }
0x49: {  	_ =	shalt  }
0x4a: {  	_ =	shalt  }
0x4b: {  	_ =	shalt  }
0x4c: {  	_ =	shalt  }
0x4d: {  	_ =	shalt  }
0x4e: {  	_ =	shalt  }
0x4f: {  	_ =	shalt  }
0x50: {  	_ =	shalt  }
0x51: {  	_ =	shalt  }
0x52: {  	_ =	shalt  }
0x53: {  	_ =	shalt  }
0x54: {  	_ =	shalt  }
0x55: {  	_ =	shalt  }
0x56: {  	_ =	shalt  }
0x57: {  	_ =	shalt  }
0x58: {  	_ =	shalt  }
0x59: {  	_ =	shalt  }
0x5a: {  	_ =	shalt  }
0x5b: {  	_ =	shalt  }
0x5c: {  	_ =	shalt  }
0x5d: {  	_ =	shalt  }
0x5e: {  	_ =	shalt  }
0x5f: {  	_ =	shalt  }
0x60: {  	_ =	shalt  }
0x61: {  	_ =	shalt  }
0x62: {  	_ =	shalt  }
0x63: {  	_ =	shalt  }
0x64: {  	_ =	shalt  }
0x65: {  	_ =	shalt  }
0x66: {  	_ =	shalt  }
0x67: {  	_ =	shalt  }
0x68: {  	_ =	shalt  }
0x69: {  	_ =	shalt  }
0x6a: {  	_ =	shalt  }
0x6b: {  	_ =	shalt  }
0x6c: {  	_ =	shalt  }
0x6d: {  	_ =	shalt  }
0x6e: {  	_ =	shalt  }
0x6f: {  	_ =	shalt  }
0x70: {  	_ =	shalt  }
0x71: {  	_ =	shalt  }
0x72: {  	_ =	shalt  }
0x73: {  	_ =	shalt  }
0x74: {  	_ =	shalt  }
0x75: {  	_ =	shalt  }
0x76: {  	_ =	shalt  }
0x77: {  	_ =	shalt  }
0x78: {  	_ =	shalt  }
0x79: {  	_ =	shalt  }
0x7a: {  	_ =	shalt  }
0x7b: {  	_ =	shalt  }
0x7c: {  	_ =	shalt  }
0x7d: {  	_ =	shalt  }
0x7e: {  	_ =	shalt  }
0x7f: {  	_ =	shalt  }
0x80: {  	_ =	shalt  }
0x81: {  	_ =	shalt  }
0x82: {  	_ =	shalt  }
0x83: {  	_ =	shalt  }
0x84: {  	_ =	shalt  }
0x85: {  	_ =	shalt  }
0x86: {  	_ =	shalt  }
0x87: {  	_ =	shalt  }
.Lfunc_end0:
.L_simem_size_0:
called_computation.1_lowered:
.L_overlay_start_0:
0x88: {  	s2 =	sld [smem:$0x3FD9]  }
0x89: {  	s3 =	sld [smem:$0x3FFE];
	_ =	sdelay $0x1  }
0x8a: {  	s1 =	srdreg.scid  }
0x8b: {  	s0 =	sand.u32 $0x1, s1  }
0x8c: {  	s16 =	sshll.u32 s0, $0xA;
	s2 =	sadd.s32 s3, s2  }
0x8d: {  	s2 =	sadd.s32 s2, s16  }
0x8e: {  	[smem:$0x3FC1] =	sst s2  }
0x8f: {  	_ = 	snop  }
0x90: {  	(tm) =	ssettm $0x1  }
0x91: {  	s17 =	sld [smem:$0x3FFB];
	_ =	sdelay $0x3  }
0x92: {  	_ =	strace s17  }
0x93: {  	s2 =	sld [smem:$0x3FFC];
	_ =	sdelay $0x3  }
0x94: {  	_ =	strace s2  }
0x95: {  	s2 =	sld [smem:$0x3FFD];
	_ =	sdelay $0x3  }
0x96: {  	_ =	strace s2  }
0x97: {  	_ =	strace $0x8FFFFFFF  }
0x98: {  	s18 =	sld [smem:$0x3FDB];
	_ =	sdelay $0x1  }
0x99: {  	s19 =	simm.s32 $_scs_section_size  }
0x9a: {  	s4 =	simm.s32 $_size__tile_overlayer_lowered;
	s5 =	simm.s32 $_tile_overlayer_lowered  }
0x9b: {  	s22 =	simm.s32 $0x1BFF;
	s21 =	sshll.u32 s5, $0x1;
	s2 =	sadd.s32 s19, s18  }
0x9c: {  	s6 =	simm.s32 $0x0;
	s20 =	sshll.u32 s4, $0x1;
	s4 =	sadd.s32 s21, s2  }
0x9d: {  	[timem:s6], [sflag:s22] =	dma.local [hbm:s4], s20  }
0x9e: {  	_ =	swait.ge [sflag:s22], s20  }
0x9f: {  	s3 =	ssub.s32 $0x0, s20;
	[sflag:s22] =	ssyncset.done $0x0  }
0xa0: {  	[sflag:s22] =	ssyncadd.s32 s3;
	_ =	sdelay $0x1  }
0xa1: {  	s23 =	simm.s32 $0x1B8B  }
0xa2: {  	_ =	swait.ge [sflag:s23], $0x1  }
0xa3: {  	[sflag:s23] =	ssyncset.done $0x0  }
0xa4: {  	s25 =	simm.s32 $0x1B8E;
	s24 =	sld [smem:$0x3FFE];
	[sflag:s23] =	ssyncadd.s32 $0xFFFFFFFF  }
0xa5: {  	s26 =	simm.s32 $execute0_lowered;
	[smem:$0x3FD2] =	sst s25  }
0xa6: {  	s4 =	sshll.u32 s26, $0x1;
	_ =	strace $0x80000049;
	[dreg:$0x1] =	wrdreg $0xFFFFFFFF  }
0xa7: {  	s28 =	simm.s32 $_size_execute0_lowered;
	s2 =	sadd.s32 s2, s4;
	[dreg:$0x0] =	wrdreg $0x0  }
0xa8: {  	s4 =	sshll.u32 s28, $0x1;
	[dreg:$0x2] =	wrdreg s2  }
0xa9: {  	[dreg:$0x3] =	wrdreg s4  }
0xaa: {  	[dreg:$0x4] =	wrdreg $0xC0  }
0xab: {  	_ =	task [dreg:s6], $0x5FFFF  }
0xac: {  	[dreg:$0x1] =	wrdreg $0xFFFFFFFF  }
0xad: {  	[dreg:$0x0] =	wrdreg $0x60  }
0xae: {  	[dreg:$0x2] =	wrdreg s24  }
0xaf: {  	[dreg:$0x3] =	wrdreg $0xA5000  }
0xb0: {  	[dreg:$0x4] =	wrdreg $0x9  }
0xb1: {  	_ =	task.clear_ibuf [dreg:s6], $0x5FFFF;
	_ =	strace $0x90000049  }
0xb2: {  	s29 =	simm.s32 $0x9;
	_ =	strace $0x8000004B  }
0xb3: {  	_ =	swait.ge [sflag:s29], $0x1  }
0xb4: {  	[sflag:s29] =	ssyncadd.s32 $0xFFFFFFFF  }
0xb5: {  	_ =	strace $0x9000004B  }
0xb6: {  	_ =	sfence  }
0xb7: {  	s30 =	sld [smem:$0x0];
	_ =	sdelay $0x2  }
0xb8: {  	s31 =	sshll.u32 s1, $0xD;
	s1 =	sshrl.u32 s1, $0x2  }
0xb9: {  	s3 =	sand.u32 $0x4000, s31;
	s1 =	sadd.s32 s1, s30  }
0xba: {  	s0 =	sor.u32 s3, s0;
	s1 =	sshll.u32 s1, $0x11  }
0xbb: {  	s0 =	sor.u32 s1, s0  }
0xbc: {  	s0 =	sadd.s32 $0x8F2B, s0  }
0xbd: {  	[sflag:s0] =	ssyncadd.remote.s32 $0x1  }
0xbe: {  	_ =	sfence.sel $0xFFFF  }
0xbf: {  	[dreg:$0x0] =	wrdreg $0xFFFFFFFF;
	(pc) =	sbr.abs _section_cstart, $3  }
0xc0: {  	[dreg:$0x1] =	wrdreg $0xFFFFFFFF  }
0xc1: {  	_ =	task.clear_ibuf [dreg:s6], $0x2FFFF;
	_ =	strace $0x9FFFFFFF  }
0xc2: {  	(tm) =	ssettm $0x7FFFFFFF  }
0xc3: {  	_ =	shalt  }
tec
execute0_lowered:
.L_overlay_start_1:
0x0: {  	(tag) =	ssettag $0x1  }
0x1: {  	s0 =	rddreg [dreg:$0x0]  }
0x2: {  	s2 =	rddreg [dreg:$0x1]  }
0x3: {  	s1 =	stileid.u32;
	s3 =	srdreg.scid  }
0x4: {  	s28 =	simm.s32 $0x3;
	s29 =	simm.s32 $0x1;
	s30 =	simm.s32 $0x6680  }
0x5: {  	s31 =	simm.s32 $0x7D;
	s4 =	sshll.u32 s1, $0x1;
	s9 =	sand.u32 $0x1, s3  }
0x6: {  	s10 =	sshrl.u32 s1, $0x2;
	s3 =	simm.s32 $0x0;
	s12 =	smul.u32 $0x13880, s1  }
0x7: {  	s5 =	sadd.s32 $0x158800, s0;
	s6 =	sadd.s32 $0x291000, s0;
	s14 =	smul.u32 $0x4E200, s1  }
0x8: {  	s18 =	sadd.s32 $0x3C9800, s0;
	s25 =	sand.u32 $0x3, s1;
	s7 =	smul.u32 $0x14000, s10  }
0x9: {  	s4 =	sand.u32 $0x6, s4;
	[smem:$0x7FF] =	sst s3;
	s11 =	smul.u32 $0x138800, s9  }
0xa: {  	s13 =	ssub.s32 $0x2, s9;
	p0 =	sgt.s32 s10, $0x1;
	p1 =	seq.s32 s10, $0x0  }
0xb: {  	p2 =	seq.s32 s10, $0x2;
	s10 =	simm.s32 $0x2780;
	s4 =	sor.u32 s9, s4  }
0xc: {  	_ =	strace $0x8000004A;
	s20 =	sshrl.u32 s13, $0x1;
	[dreg:$0x5] =	wrdreg s18  }
0xd: {  	s15 =	sshrl.u32 s14, $0x2;
	s9 =	smul.u32 $0x27100, s9;
	[dreg:$0x4] =	wrdreg s6  }
0xe: {  	[dreg:$0x3] =	wrdreg s5;
	s8 =	smul.u32 $0x2800, s4;
	s11 =	sadd.s32 s12, s11  }
0xf: {  	s4 =	smul.u32 $0x27100, s4;
	s12 =	sadd.s32 s12, s2;
	s15 =	sadd.s32 s15, s2  }
0x10: {  	s11 =	sshrl.u32 s11, $0x3;
	s16 =	sadd.s32 $0x3E80, s15;
	s17 =	sadd.s32 $0x7D00, s15  }
0x11: {  	s8 =	sadd.s32 s7, s8;
	s7 =	sadd.s32 $0x769000, s0;
	s21 =	sadd.s32 s6, s4  }
0x12: {  	s22 =	sadd.s32 s18, s4;
	s24 =	sadd.s32 s5, s4;
	[dreg:$0x6] =	wrdreg s21  }
0x13: {  	s8 =	sshrl.u32 s8, $0x3;
	[dreg:$0x7] =	wrdreg s22;
	s23 =	sadd.s32 s7, s4  }
0x14: {  	[dreg:$0x9] =	wrdreg s24;
	s8 =	sadd.s32 s8, s0;
	s0 =	sadd.s32 s11, s0  }
0x15: {  	s11 =	ssub.s32 s13, s20;
	s13 =	sadd.s32 $0x2400, s0;
	s0 =	smul.u32 $0x4E200, s25  }
0x16: {  	[dreg:$0x8] =	wrdreg s23;
	s20 =	sadd.s32 $0x26930, s4;
	s8 =	sadd.s32 $0x14E800, s8  }
0x17: {  	s14 =	smax.u32 s11, $0x1;
	s25 =	sshrl.u32 s12, $0x3;
	s26 =	sadd.s32 s0, s7  }
0x18: {  	s18 =	sadd.s32 s0, s18;
	s19 =	sadd.s32 s0, s6;
	s0 =	sadd.s32 s0, s5  }
.Ltmp0:
0x19: {  	s11 =	sadd.s32 s9, s26;
	s22 =	sadd.s32 s9, s18;
	(pc) =	sbr.rel .LBB2_1-.Ltmp0, $4  }
0x1a: {  	s23 =	sadd.s32 s9, s19;
	s0 =	sadd.s32 s9, s0;
	s18 =	sadd.s32 $0xBB80, s15  }
0x1b: {  	s19 =	sadd.s32 $0xFA00, s15;
	s26 =	simm.s32 $0x2800;
	s9 =	simm.s32 $0x2700  }
0x1c: {  	s21 =	sadd.s32 $0xFA0, s11;
	s22 =	sadd.s32 $0xFA0, s22;
	s23 =	sadd.s32 $0xFA0, s23  }
0x1d: {  	v0 =	vimm.f32 $0.0e+00;
	s4 =	sadd.s32 $0xFA0, s0;
	s0 =	simm.s32 $0x2;
	s11 =	simm.s32 $0x0  }
.LBB2_17:
0x1e: {  	[sflag:s28] =	ssyncadd.s32 $0xFFFFC180;
	s12 =	smov.u32 s7  }
.LBB2_18:
0x1f: {  	_ =	swait.ge [sflag:s29], $0x3E80  }
0x20: {  	[sflag:s29] =	ssyncset.done $0x0  }
0x21: {  	s5 =	sadd.s32 s12, s20;
	[sflag:s29] =	ssyncadd.s32 $0xFFFFC180  }
0x22: {  	[tilespmem:s30], [sflag:$0x2] =	stream.linear.gather [hbm4b:s5+s3], $0x3E80, $0x38;
	[tilespmem:$0x1DD80] =	vst v63  }
0x23: {  	_ = 	snop  }
0x24: {  	[spmem:s2] =	stream.indirect.scatter.add.f32 [tilespmem:s26], [sflag:$0x3], $0x80, s9, s31, $0xb8;
	[tilespmem:$0x1DD80] =	vst v63  }
0x25: {  	_ =	swait.ge [sflag:s28], $0x3E80  }
0x26: {  	[sflag:s28] =	ssyncset.done $0x0  }
0x27: {  	[sflag:s28] =	ssyncadd.s32 $0xFFFFC180  }
0x28: {  	_ =	swait.ge [sflag:s0], $0x3E80  }
0x29: {  	[sflag:s0] =	ssyncset.done $0x0  }
0x2a: {  	[sflag:s0] =	ssyncadd.s32 $0xFFFFC180  }
0x2b: {  	[spmem:s2] =	stream.indirect.scatter.add.f32 [tilespmem:s30], [sflag:$0x3], $0x80, s10, s31, $0xb8;
	[tilespmem:$0x1DD80] =	vst v63  }
0x2c: {  	_ =	swait.ge [sflag:s28], $0x3E80  }
0x2d: {  	s11 =	sadd.s32 $0x1, s11;
	[sflag:s28] =	ssyncset.done $0x0  }
0x2e: {  	s24 =	sshll.u32 s1, $0x6;
	p3 =	sne.s32 s11, s14;
	[sflag:s28] =	ssyncadd.s32 $0xFFFFC180  }
.Ltmp1:
0x2f: {  	s5 =	sor.u32 $0x1C03, s24;
	[bflag:$0x0] =	sbarrier.arrive $0xFFFF;
	(pc) =	sbr.rel @!p3 .LBB2_19-.Ltmp1, $4  }
0x30: {  	[hbm:s13], [sflag:s5] =	dma.local [spmem:s25], $0x2710  }
0x31: {  	_ =	swait.ge [sflag:s28], $0x2710  }
0x32: {  	[sflag:s28] =	ssyncset.done $0x0  }
0x33: {  	[sflag:s28] =	ssyncadd.s32 $0xFFFFD8F0  }
.LBB2_1:
0x34: {  	s12 =	simm.s32 $0x70;
	s24 =	simm.s32 $0x3C0  }
.LBB2_2:
0x35: {  	p3 =	sne.s32 s24, $0xF9C0;
	[tilespmem:s12+$0x2800] =	vst v0  }
0x36: {  	[tilespmem:s12+$0x2790] =	vst v0  }
0x37: {  	[tilespmem:s12+$0x27A0] =	vst v0  }
.Ltmp2:
0x38: {  	[tilespmem:s12+$0x27B0] =	vst v0;
	(pc) =	sbr.rel @p3 .LBB2_2-.Ltmp2, $4  }
0x39: {  	[tilespmem:s12+$0x27C0] =	vst v0  }
0x3a: {  	[tilespmem:s12+$0x27D0] =	vst v0  }
0x3b: {  	[tilespmem:s12+$0x27E0] =	vst v0  }
0x3c: {  	[tilespmem:s12+$0x27F0] =	vst v0;
	s12 =	sshra.s32 s24, $0x2;
	s24 =	sadd.s32 $0x200, s24  }
0x3d: {  	[tilespmem:s12+$0x2800] =	vst v0  }
0x3e: {  	[tilespmem:s12+$0x2790] =	vst v0  }
0x3f: {  	[tilespmem:s12+$0x27A0] =	vst v0  }
0x40: {  	[tilespmem:s12+$0x27B0] =	vst v0  }
0x41: {  	[tilespmem:s12+$0x27C0] =	vst v0  }
0x42: {  	[tilespmem:s12+$0x27D0] =	vst v0  }
0x43: {  	[tilespmem:s12+$0x27E0] =	vst v0  }
0x44: {  	[tilespmem:s12+$0x27F0] =	vst v0  }
0x45: {  	[spmem:s15] =	stream.linear.scatter [tilespmem:s26], [sflag:$0x3], $0x3E80, $0x38;
	[tilespmem:$0x1DD80] =	vst v63  }
0x46: {  	_ =	swait.ge [sflag:s28], $0x3E80  }
0x47: {  	[sflag:s28] =	ssyncset.done $0x0  }
0x48: {  	[sflag:s28] =	ssyncadd.s32 $0xFFFFC180  }
0x49: {  	[spmem:s16] =	stream.linear.scatter [tilespmem:s26], [sflag:$0x3], $0x3E80, $0x38;
	[tilespmem:$0x1DD80] =	vst v63  }
0x4a: {  	_ =	swait.ge [sflag:s28], $0x3E80  }
0x4b: {  	[sflag:s28] =	ssyncset.done $0x0  }
0x4c: {  	[sflag:s28] =	ssyncadd.s32 $0xFFFFC180  }
0x4d: {  	[spmem:s17] =	stream.linear.scatter [tilespmem:s26], [sflag:$0x3], $0x3E80, $0x38;
	[tilespmem:$0x1DD80] =	vst v63  }
0x4e: {  	_ =	swait.ge [sflag:s28], $0x3E80  }
0x4f: {  	[sflag:s28] =	ssyncset.done $0x0  }
0x50: {  	[sflag:s28] =	ssyncadd.s32 $0xFFFFC180  }
0x51: {  	[spmem:s18] =	stream.linear.scatter [tilespmem:s26], [sflag:$0x3], $0x3E80, $0x38;
	[tilespmem:$0x1DD80] =	vst v63  }
0x52: {  	_ =	swait.ge [sflag:s28], $0x3E80  }
0x53: {  	[sflag:s28] =	ssyncset.done $0x0  }
0x54: {  	[sflag:s28] =	ssyncadd.s32 $0xFFFFC180  }
0x55: {  	[spmem:s19] =	stream.linear.scatter [tilespmem:s26], [sflag:$0x3], $0x3E80, $0x38;
	[tilespmem:$0x1DD80] =	vst v63  }
0x56: {  	_ =	swait.ge [sflag:s28], $0x3E80  }
0x57: {  	[sflag:s28] =	ssyncset.done $0x0  }
0x58: {  	[sflag:s28] =	ssyncadd.s32 $0xFFFFC180  }
.Ltmp3:
0x59: {  	[bflag:$0x0] =	sbarrier.arrive $0xFFFF;
	(pc) =	sbr.rel @p0 .LBB2_14-.Ltmp3, $4  }
0x5a: {  	[tilespmem:s3], [sflag:$0x1] =	stream.linear.gather [hbm4b:s8+s3], $0x2800, $0x38;
	[tilespmem:$0x1DD80] =	vst v63  }
0x5b: {  	_ =	swait.ge [sflag:s29], $0x2800  }
0x5c: {  	[sflag:s29] =	ssyncset.done $0x0  }
0x5d: {  	[sflag:s29] =	ssyncadd.s32 $0xFFFFD800  }
.Ltmp4:
0x5e: {  	(pc) =	sbr.rel @!p1 .LBB2_8-.Ltmp4, $1  }
0x5f: {  	_ =	sdelay $0x3  }
0x60: {  	s12 =	simm.s32 $0x0;
	s5 =	rddreg [dreg:$0x9]  }
0x61: {  	[tilespmem:s26], [sflag:$0x1] =	stream.linear.gather [hbm4b:s5+s12], $0x3E80, $0x38;
	[tilespmem:$0x1DD80] =	vst v63  }
0x62: {  	_ =	swait.ge [sflag:s29], $0x3E80  }
0x63: {  	[sflag:s29] =	ssyncset.done $0x0  }
0x64: {  	s5 =	sadd.s32 $0xFFFFF830, s4;
	[sflag:s29] =	ssyncadd.s32 $0xFFFFC180  }
0x65: {  	[tilespmem:s30], [sflag:$0x2] =	stream.linear.gather [hbm4b:s5+s3], $0x3E80, $0x38;
	[tilespmem:$0x1DD80] =	vst v63  }
0x66: {  	s6 =	simm.s32 $0x0  }
0x67: {  	[spmem:s2] =	stream.indirect.scatter.add.f32 [tilespmem:s26], [sflag:$0x3], $0x80, s6, s31, $0xb8;
	[tilespmem:$0x1DD80] =	vst v63  }
0x68: {  	_ =	swait.ge [sflag:s28], $0x3E80  }
0x69: {  	[sflag:s28] =	ssyncset.done $0x0  }
0x6a: {  	[sflag:s28] =	ssyncadd.s32 $0xFFFFC180  }
0x6b: {  	_ =	swait.ge [sflag:s0], $0x3E80  }
0x6c: {  	[sflag:s0] =	ssyncset.done $0x0  }
0x6d: {  	[sflag:s0] =	ssyncadd.s32 $0xFFFFC180  }
0x6e: {  	[tilespmem:s26], [sflag:$0x1] =	stream.linear.gather [hbm4b:s4+s3], $0x3E80, $0x38;
	[tilespmem:$0x1DD80] =	vst v63  }
0x6f: {  	s24 =	simm.s32 $0x80  }
0x70: {  	[spmem:s2] =	stream.indirect.scatter.add.f32 [tilespmem:s30], [sflag:$0x3], $0x80, s24, s31, $0xb8;
	[tilespmem:$0x1DD80] =	vst v63  }
0x71: {  	_ =	swait.ge [sflag:s28], $0x3E80  }
0x72: {  	s12 =	simm.s32 $0x400;
	s24 =	smov.u32 s4;
	[sflag:s28] =	ssyncset.done $0x0  }
.LBB2_6:
0x73: {  	p3 =	seq.s32 s12, $0x9800;
	[sflag:s28] =	ssyncadd.s32 $0xFFFFC180;
	s24 =	sadd.s32 $0xFA0, s24  }
0x74: {  	s5 =	smov.u32 s12;
	s12 =	sadd.s32 $0x400, s12  }
0x75: {  	_ =	swait.ge [sflag:s29], $0x3E80  }
0x76: {  	[sflag:s29] =	ssyncset.done $0x0  }
0x77: {  	s6 =	sadd.s32 $0xFFFFF830, s24;
	[sflag:s29] =	ssyncadd.s32 $0xFFFFC180  }
0x78: {  	[tilespmem:s30], [sflag:$0x2] =	stream.linear.gather [hbm4b:s6+s3], $0x3E80, $0x38;
	[tilespmem:$0x1DD80] =	vst v63  }
0x79: {  	s5 =	sshra.s32 s5, $0x2  }
0x7a: {  	[spmem:s2] =	stream.indirect.scatter.add.f32 [tilespmem:s26], [sflag:$0x3], $0x80, s5, s31, $0xb8;
	[tilespmem:$0x1DD80] =	vst v63  }
0x7b: {  	_ =	swait.ge [sflag:s28], $0x3E80  }
0x7c: {  	[sflag:s28] =	ssyncset.done $0x0  }
0x7d: {  	[sflag:s28] =	ssyncadd.s32 $0xFFFFC180  }
0x7e: {  	_ =	swait.ge [sflag:s0], $0x3E80  }
0x7f: {  	[sflag:s0] =	ssyncset.done $0x0  }
0x80: {  	[sflag:s0] =	ssyncadd.s32 $0xFFFFC180  }
0x81: {  	[tilespmem:s26], [sflag:$0x1] =	stream.linear.gather [hbm4b:s24+s3], $0x3E80, $0x38;
	[tilespmem:$0x1DD80] =	vst v63  }
.Ltmp5:
0x82: {  	_ = 	snop;
	(pc) =	sbr.rel @!p3 .LBB2_6-.Ltmp5, $4  }
0x83: {  	s5 =	sadd.s32 $0x80, s5  }
0x84: {  	[spmem:s2] =	stream.indirect.scatter.add.f32 [tilespmem:s30], [sflag:$0x3], $0x80, s5, s31, $0xb8;
	[tilespmem:$0x1DD80] =	vst v63  }
0x85: {  	_ =	swait.ge [sflag:s28], $0x3E80  }
0x86: {  	[sflag:s28] =	ssyncset.done $0x0  }
.Ltmp6:
0x87: {  	(pc) =	sbr.rel .LBB2_18-.Ltmp6, $2  }
0x88: {  	_ =	sdelay $0x2  }
0x89: {  	[sflag:s28] =	ssyncadd.s32 $0xFFFFC180;
	s12 =	rddreg [dreg:$0x3]  }
.LBB2_14:
.Ltmp7:
0x8a: {  	(pc) =	sbr.rel @!p2 .LBB2_15-.Ltmp7, $2  }
0x8b: {  	_ =	sdelay $0x2  }
0x8c: {  	s5 =	simm.s32 $0x0  }
0x8d: {  	s6 =	rddreg [dreg:$0x7]  }
0x8e: {  	[tilespmem:s26], [sflag:$0x1] =	stream.linear.gather [hbm4b:s6+s5], $0x3E80, $0x38;
	[tilespmem:$0x1DD80] =	vst v63  }
0x8f: {  	_ =	swait.ge [sflag:s29], $0x3E80  }
0x90: {  	[sflag:s29] =	ssyncset.done $0x0  }
0x91: {  	s6 =	sadd.s32 $0xFFFFF830, s22;
	[sflag:s29] =	ssyncadd.s32 $0xFFFFC180  }
0x92: {  	[tilespmem:s30], [sflag:$0x2] =	stream.linear.gather [hbm4b:s6+s3], $0x3E80, $0x38;
	[tilespmem:$0x1DD80] =	vst v63  }
0x93: {  	s12 =	simm.s32 $0x0  }
0x94: {  	[spmem:s2] =	stream.indirect.scatter.add.f32 [tilespmem:s26], [sflag:$0x3], $0x80, s12, s31, $0xb8;
	[tilespmem:$0x1DD80] =	vst v63  }
0x95: {  	_ =	swait.ge [sflag:s28], $0x3E80  }
0x96: {  	[sflag:s28] =	ssyncset.done $0x0  }
0x97: {  	[sflag:s28] =	ssyncadd.s32 $0xFFFFC180  }
0x98: {  	_ =	swait.ge [sflag:s0], $0x3E80  }
0x99: {  	[sflag:s0] =	ssyncset.done $0x0  }
0x9a: {  	[sflag:s0] =	ssyncadd.s32 $0xFFFFC180  }
0x9b: {  	[tilespmem:s26], [sflag:$0x1] =	stream.linear.gather [hbm4b:s22+s3], $0x3E80, $0x38;
	[tilespmem:$0x1DD80] =	vst v63  }
0x9c: {  	s24 =	simm.s32 $0x80  }
0x9d: {  	[spmem:s2] =	stream.indirect.scatter.add.f32 [tilespmem:s30], [sflag:$0x3], $0x80, s24, s31, $0xb8;
	[tilespmem:$0x1DD80] =	vst v63  }
0x9e: {  	_ =	swait.ge [sflag:s28], $0x3E80  }
0x9f: {  	s12 =	simm.s32 $0x400;
	s24 =	smov.u32 s22;
	[sflag:s28] =	ssyncset.done $0x0  }
.LBB2_12:
0xa0: {  	p3 =	seq.s32 s12, $0x9800;
	[sflag:s28] =	ssyncadd.s32 $0xFFFFC180;
	s24 =	sadd.s32 $0xFA0, s24  }
0xa1: {  	s5 =	smov.u32 s12;
	s12 =	sadd.s32 $0x400, s12  }
0xa2: {  	_ =	swait.ge [sflag:s29], $0x3E80  }
0xa3: {  	[sflag:s29] =	ssyncset.done $0x0  }
0xa4: {  	s6 =	sadd.s32 $0xFFFFF830, s24;
	[sflag:s29] =	ssyncadd.s32 $0xFFFFC180  }
0xa5: {  	[tilespmem:s30], [sflag:$0x2] =	stream.linear.gather [hbm4b:s6+s3], $0x3E80, $0x38;
	[tilespmem:$0x1DD80] =	vst v63  }
0xa6: {  	s5 =	sshra.s32 s5, $0x2  }
0xa7: {  	[spmem:s2] =	stream.indirect.scatter.add.f32 [tilespmem:s26], [sflag:$0x3], $0x80, s5, s31, $0xb8;
	[tilespmem:$0x1DD80] =	vst v63  }
0xa8: {  	_ =	swait.ge [sflag:s28], $0x3E80  }
0xa9: {  	[sflag:s28] =	ssyncset.done $0x0  }
0xaa: {  	[sflag:s28] =	ssyncadd.s32 $0xFFFFC180  }
0xab: {  	_ =	swait.ge [sflag:s0], $0x3E80  }
0xac: {  	[sflag:s0] =	ssyncset.done $0x0  }
0xad: {  	[sflag:s0] =	ssyncadd.s32 $0xFFFFC180  }
0xae: {  	[tilespmem:s26], [sflag:$0x1] =	stream.linear.gather [hbm4b:s24+s3], $0x3E80, $0x38;
	[tilespmem:$0x1DD80] =	vst v63  }
.Ltmp8:
0xaf: {  	_ = 	snop;
	(pc) =	sbr.rel @!p3 .LBB2_12-.Ltmp8, $4  }
0xb0: {  	s5 =	sadd.s32 $0x80, s5  }
0xb1: {  	[spmem:s2] =	stream.indirect.scatter.add.f32 [tilespmem:s30], [sflag:$0x3], $0x80, s5, s31, $0xb8;
	[tilespmem:$0x1DD80] =	vst v63  }
0xb2: {  	_ =	swait.ge [sflag:s28], $0x3E80  }
0xb3: {  	[sflag:s28] =	ssyncset.done $0x0  }
.Ltmp9:
0xb4: {  	(pc) =	sbr.rel .LBB2_18-.Ltmp9, $2  }
0xb5: {  	_ =	sdelay $0x2  }
0xb6: {  	[sflag:s28] =	ssyncadd.s32 $0xFFFFC180;
	s12 =	rddreg [dreg:$0x5]  }
.LBB2_8:
0xb7: {  	s5 =	simm.s32 $0x0;
	s6 =	rddreg [dreg:$0x6]  }
0xb8: {  	[tilespmem:s26], [sflag:$0x1] =	stream.linear.gather [hbm4b:s6+s5], $0x3E80, $0x38;
	[tilespmem:$0x1DD80] =	vst v63  }
0xb9: {  	_ =	swait.ge [sflag:s29], $0x3E80  }
0xba: {  	[sflag:s29] =	ssyncset.done $0x0  }
0xbb: {  	s6 =	sadd.s32 $0xFFFFF830, s23;
	[sflag:s29] =	ssyncadd.s32 $0xFFFFC180  }
0xbc: {  	[tilespmem:s30], [sflag:$0x2] =	stream.linear.gather [hbm4b:s6+s3], $0x3E80, $0x38;
	[tilespmem:$0x1DD80] =	vst v63  }
0xbd: {  	s12 =	simm.s32 $0x0  }
0xbe: {  	[spmem:s2] =	stream.indirect.scatter.add.f32 [tilespmem:s26], [sflag:$0x3], $0x80, s12, s31, $0xb8;
	[tilespmem:$0x1DD80] =	vst v63  }
0xbf: {  	_ =	swait.ge [sflag:s28], $0x3E80  }
0xc0: {  	[sflag:s28] =	ssyncset.done $0x0  }
0xc1: {  	[sflag:s28] =	ssyncadd.s32 $0xFFFFC180  }
0xc2: {  	_ =	swait.ge [sflag:s0], $0x3E80  }
0xc3: {  	[sflag:s0] =	ssyncset.done $0x0  }
0xc4: {  	[sflag:s0] =	ssyncadd.s32 $0xFFFFC180  }
0xc5: {  	[tilespmem:s26], [sflag:$0x1] =	stream.linear.gather [hbm4b:s23+s3], $0x3E80, $0x38;
	[tilespmem:$0x1DD80] =	vst v63  }
0xc6: {  	s24 =	simm.s32 $0x80  }
0xc7: {  	[spmem:s2] =	stream.indirect.scatter.add.f32 [tilespmem:s30], [sflag:$0x3], $0x80, s24, s31, $0xb8;
	[tilespmem:$0x1DD80] =	vst v63  }
0xc8: {  	_ =	swait.ge [sflag:s28], $0x3E80  }
0xc9: {  	s12 =	simm.s32 $0x400;
	s24 =	smov.u32 s23;
	[sflag:s28] =	ssyncset.done $0x0  }
.LBB2_9:
0xca: {  	p3 =	seq.s32 s12, $0x9800;
	[sflag:s28] =	ssyncadd.s32 $0xFFFFC180;
	s24 =	sadd.s32 $0xFA0, s24  }
0xcb: {  	s5 =	smov.u32 s12;
	s12 =	sadd.s32 $0x400, s12  }
0xcc: {  	_ =	swait.ge [sflag:s29], $0x3E80  }
0xcd: {  	[sflag:s29] =	ssyncset.done $0x0  }
0xce: {  	s6 =	sadd.s32 $0xFFFFF830, s24;
	[sflag:s29] =	ssyncadd.s32 $0xFFFFC180  }
0xcf: {  	[tilespmem:s30], [sflag:$0x2] =	stream.linear.gather [hbm4b:s6+s3], $0x3E80, $0x38;
	[tilespmem:$0x1DD80] =	vst v63  }
0xd0: {  	s5 =	sshra.s32 s5, $0x2  }
0xd1: {  	[spmem:s2] =	stream.indirect.scatter.add.f32 [tilespmem:s26], [sflag:$0x3], $0x80, s5, s31, $0xb8;
	[tilespmem:$0x1DD80] =	vst v63  }
0xd2: {  	_ =	swait.ge [sflag:s28], $0x3E80  }
0xd3: {  	[sflag:s28] =	ssyncset.done $0x0  }
0xd4: {  	[sflag:s28] =	ssyncadd.s32 $0xFFFFC180  }
0xd5: {  	_ =	swait.ge [sflag:s0], $0x3E80  }
0xd6: {  	[sflag:s0] =	ssyncset.done $0x0  }
0xd7: {  	[sflag:s0] =	ssyncadd.s32 $0xFFFFC180  }
0xd8: {  	[tilespmem:s26], [sflag:$0x1] =	stream.linear.gather [hbm4b:s24+s3], $0x3E80, $0x38;
	[tilespmem:$0x1DD80] =	vst v63  }
.Ltmp10:
0xd9: {  	_ = 	snop;
	(pc) =	sbr.rel @!p3 .LBB2_9-.Ltmp10, $4  }
0xda: {  	s5 =	sadd.s32 $0x80, s5  }
0xdb: {  	[spmem:s2] =	stream.indirect.scatter.add.f32 [tilespmem:s30], [sflag:$0x3], $0x80, s5, s31, $0xb8;
	[tilespmem:$0x1DD80] =	vst v63  }
0xdc: {  	_ =	swait.ge [sflag:s28], $0x3E80  }
0xdd: {  	[sflag:s28] =	ssyncset.done $0x0  }
.Ltmp11:
0xde: {  	(pc) =	sbr.rel .LBB2_18-.Ltmp11, $2  }
0xdf: {  	_ =	sdelay $0x2  }
0xe0: {  	[sflag:s28] =	ssyncadd.s32 $0xFFFFC180;
	s12 =	rddreg [dreg:$0x4]  }
.LBB2_15:
0xe1: {  	s6 =	rddreg [dreg:$0x8]  }
0xe2: {  	[tilespmem:s26], [sflag:$0x1] =	stream.linear.gather [hbm4b:s6+s5], $0x3E80, $0x38;
	[tilespmem:$0x1DD80] =	vst v63  }
0xe3: {  	_ =	swait.ge [sflag:s29], $0x3E80  }
0xe4: {  	[sflag:s29] =	ssyncset.done $0x0  }
0xe5: {  	s6 =	sadd.s32 $0xFFFFF830, s21;
	[sflag:s29] =	ssyncadd.s32 $0xFFFFC180  }
0xe6: {  	[tilespmem:s30], [sflag:$0x2] =	stream.linear.gather [hbm4b:s6+s3], $0x3E80, $0x38;
	[tilespmem:$0x1DD80] =	vst v63  }
0xe7: {  	s12 =	simm.s32 $0x0  }
0xe8: {  	[spmem:s2] =	stream.indirect.scatter.add.f32 [tilespmem:s26], [sflag:$0x3], $0x80, s12, s31, $0xb8;
	[tilespmem:$0x1DD80] =	vst v63  }
0xe9: {  	_ =	swait.ge [sflag:s28], $0x3E80  }
0xea: {  	[sflag:s28] =	ssyncset.done $0x0  }
0xeb: {  	[sflag:s28] =	ssyncadd.s32 $0xFFFFC180  }
0xec: {  	_ =	swait.ge [sflag:s0], $0x3E80  }
0xed: {  	[sflag:s0] =	ssyncset.done $0x0  }
0xee: {  	[sflag:s0] =	ssyncadd.s32 $0xFFFFC180  }
0xef: {  	[tilespmem:s26], [sflag:$0x1] =	stream.linear.gather [hbm4b:s21+s3], $0x3E80, $0x38;
	[tilespmem:$0x1DD80] =	vst v63  }
0xf0: {  	s24 =	simm.s32 $0x80  }
0xf1: {  	[spmem:s2] =	stream.indirect.scatter.add.f32 [tilespmem:s30], [sflag:$0x3], $0x80, s24, s31, $0xb8;
	[tilespmem:$0x1DD80] =	vst v63  }
0xf2: {  	_ =	swait.ge [sflag:s28], $0x3E80  }
0xf3: {  	s12 =	simm.s32 $0x400;
	s24 =	smov.u32 s21;
	[sflag:s28] =	ssyncset.done $0x0  }
.LBB2_16:
0xf4: {  	p3 =	seq.s32 s12, $0x9800;
	[sflag:s28] =	ssyncadd.s32 $0xFFFFC180;
	s24 =	sadd.s32 $0xFA0, s24  }
0xf5: {  	s5 =	smov.u32 s12;
	s12 =	sadd.s32 $0x400, s12  }
0xf6: {  	_ =	swait.ge [sflag:s29], $0x3E80  }
0xf7: {  	[sflag:s29] =	ssyncset.done $0x0  }
0xf8: {  	s6 =	sadd.s32 $0xFFFFF830, s24;
	[sflag:s29] =	ssyncadd.s32 $0xFFFFC180  }
0xf9: {  	[tilespmem:s30], [sflag:$0x2] =	stream.linear.gather [hbm4b:s6+s3], $0x3E80, $0x38;
	[tilespmem:$0x1DD80] =	vst v63  }
0xfa: {  	s5 =	sshra.s32 s5, $0x2  }
0xfb: {  	[spmem:s2] =	stream.indirect.scatter.add.f32 [tilespmem:s26], [sflag:$0x3], $0x80, s5, s31, $0xb8;
	[tilespmem:$0x1DD80] =	vst v63  }
0xfc: {  	_ =	swait.ge [sflag:s28], $0x3E80  }
0xfd: {  	[sflag:s28] =	ssyncset.done $0x0  }
0xfe: {  	[sflag:s28] =	ssyncadd.s32 $0xFFFFC180  }
0xff: {  	_ =	swait.ge [sflag:s0], $0x3E80  }
0x100: {  	[sflag:s0] =	ssyncset.done $0x0  }
0x101: {  	[sflag:s0] =	ssyncadd.s32 $0xFFFFC180  }
0x102: {  	[tilespmem:s26], [sflag:$0x1] =	stream.linear.gather [hbm4b:s24+s3], $0x3E80, $0x38;
	[tilespmem:$0x1DD80] =	vst v63  }
.Ltmp12:
0x103: {  	_ = 	snop;
	(pc) =	sbr.rel @!p3 .LBB2_16-.Ltmp12, $4  }
0x104: {  	s5 =	sadd.s32 $0x80, s5  }
0x105: {  	[spmem:s2] =	stream.indirect.scatter.add.f32 [tilespmem:s30], [sflag:$0x3], $0x80, s5, s31, $0xb8;
	[tilespmem:$0x1DD80] =	vst v63  }
0x106: {  	_ =	swait.ge [sflag:s28], $0x3E80  }
0x107: {  	[sflag:s28] =	ssyncset.done $0x0  }
.Ltmp13:
0x108: {  	_ = 	snop;
	(pc) =	sbr.rel .LBB2_17-.Ltmp13, $1  }
0x109: {  	_ =	sdelay $0x3  }
.LBB2_19:
0x10a: {  	_ =	sfence.sel $0x180000  }
0x10b: {  	[bflag:$0x0] =	sbarrier.arrive $0xFFFF  }
0x10c: {  	_ =	strace $0x9000004A  }
0x10d: {  	[bflag:$0x2] =	sbarrier.arrive $0xFFFF  }
0x10e: {  	p0 =	sne.s32 s1, $0x0;
	s0 =	rddreg [dreg:$0x2]  }
0x10f: {  	s0 =	sadd.s32 @!p0 $0x100000, s0  }
0x110: {  	[sflag:s0] =	ssyncadd.tile.s32 @!p0 $0x1;
	_ =	shalt  }
.Lfunc_end2:
_tile_overlayer_lowered:
.L_overlay_start_2:
0x111: {  	(tag) =	ssettag $0x2  }
0x112: {  	s0 =	rddreg [dreg:$0x0];
	s2 =	stileid.u32  }
0x113: {  	s1 =	rddreg [dreg:$0x1];
	p0 =	sne.s32 s2, $0x0  }
0x114: {  	s3 =	rddreg [dreg:$0x2];
	[bflag:$0x3] =	sbarrier.arrive $0xFFFF;
	s2 =	simm.s32 @!p0 $0x1C03  }
0x115: {  	[timem:s3], [sflag:s2] =	dma.local @!p0 [hbm:s0], s1  }
0x116: {  	s0 =	simm.s32 @!p0 $0x3  }
0x117: {  	_ =	swait.ge @!p0 [sflag:s0], s1  }
0x118: {  	s1 =	ssub.s32 @!p0 $0x0, s1;
	[sflag:s0] =	ssyncset.done @!p0 $0x0  }
0x119: {  	[sflag:s0] =	ssyncadd.s32 @!p0 s1  }
0x11a: {  	[bflag:$0x3] =	sbarrier.arrive $0xFFFF  }
0x11b: {  	_ =	shalt  }

// kernel: kernel.7.cloned.1.call-start
scs
__scs_entry_jumppad:
0x0: {  	(pc) =	sbr.rel $0x88, $3  }
0x1: {  	(tag) =	ssettag $0x0;
	lr =	simm.s32 $0x1  }
0x2: {  	[smem:$0x3F9A] =	sst lr;
	_ =	strace $0xD0000000  }
0x3: {  	_ = 	snop  }
0x4: {  	_ = 	snop  }
0x5: {  	_ = 	snop  }
0x6: {  	_ = 	snop  }
0x7: {  	_ = 	snop  }
__scs_overlays_trampoline_lowered:
0x8: {  	[smem:$0x3FA9] =	sst s0  }
0x9: {  	[smem:$0x3FAA] =	sst s1  }
0xa: {  	[smem:$0x3FAB] =	sst s2  }
0xb: {  	[smem:$0x3FAC] =	sst s3  }
0xc: {  	[smem:$0x3FAD] =	sst s4  }
0xd: {  	[smem:$0x3FAE] =	sst s5  }
0xe: {  	[smem:$0x3FAF] =	sst s6  }
0xf: {  	[smem:$0x3FB0] =	sst s7  }
0x10: {  	[smem:$0x3FB1] =	sst s8  }
0x11: {  	[smem:$0x3FB2] =	sst s9;
	s0 =	simm.s32 @!p0 $0x0  }
0x12: {  	s1 =	sld [smem:$0x3F98];
	s0 =	simm.s32 @p0 $0x1  }
0x13: {  	[smem:$0x3FB3] =	sst s0;
	s0 =	simm.s32 @!p1 $0x0  }
0x14: {  	s2 =	sld [smem:$0x3F97];
	s0 =	simm.s32 @p1 $0x1  }
0x15: {  	[smem:$0x3FB4] =	sst s0;
	s0 =	simm.s32 @!p2 $0x0  }
0x16: {  	s3 =	sld [smem:$0x3FDB];
	s0 =	simm.s32 @p2 $0x1  }
0x17: {  	s4 =	simm.s32 $0x1BF5;
	[smem:$0x3FB6] =	sst s0  }
0x18: {  	s0 =	sld [smem:$0x3F99];
	_ =	swait.ge [sflag:s4], $0x0  }
0x19: {  	s7 =	sld [smem:$0x3F9A]  }
0x1a: {  	s8 =	sadd.s32 $0xFFFFE003, lr  }
0x1b: {  	s9 =	sadd.s32 $0xFFFFFEF7, lr;
	s5 =	simm.s32 $0xFFFFFFFF;
	p2 =	slt.u32 s8, $0xFFFFF086  }
0x1c: {  	p1 =	slt.u32 s9, $0xF7A;
	s5 =	simm.s32 @!p2 $0x0  }
0x1d: {  	s5 =	simm.s32 @p1 $0x1;
	p0 =	seq.s32 s7, s2  }
0x1e: {  	s7 =	smul.u32 @!p0 $0xF7A, s2;
	p2 =	seq.s32 @!p0 s5, $0x0  }
0x1f: {  	s9 =	smul.u32 $0xF7A, s1;
	s8 =	simm.s32 @!p0 $0x1BF5;
	p2 =	por !p2, p0  }
0x20: {  	[sflag:s8] =	ssyncset.s32 @!p0 $0xFFFFF086;
	s6 =	sadd.s32 @!p0 s3, s7;
	s7 =	simm.s32 @!p0 $0x108  }
0x21: {  	s3 =	sadd.s32 s3, s9;
	s6 =	sadd.s32 @!p0 $0x88, s6;
	s7 =	simm.s32 @p2 $0x1082  }
0x22: {  	[simem:s7], [sflag:s8] =	dma.local @!p0 [hbm:s6], $0xF7A  }
0x23: {  	s9 =	sor.u32 $0xD0000000, s2;
	s6 =	simm.s32 $0x108;
	_ =	swait.ge @!p0 [sflag:s8], $0x0  }
0x24: {  	s3 =	sadd.s32 $0x88, s3;
	s6 =	simm.s32 @!p1 $0x1082;
	[sflag:s4] =	ssyncset.s32 $0xFFFFF086  }
0x25: {  	[simem:s6], [sflag:s4] =	dma.local [hbm:s3], $0xF7A  }
0x26: {  	[smem:$0x3F9A] =	sst s1;
	(tag) =	ssettag s2;
	_ =	strace s9  }
0x27: {  	s1 =	sld [smem:$0x3FAA]  }
0x28: {  	s2 =	sld [smem:$0x3FAB]  }
0x29: {  	s4 =	sld [smem:$0x3FAD]  }
0x2a: {  	p0 =	seq.s32 s5, $0x0;
	s5 =	sld [smem:$0x3FAE]  }
0x2b: {  	s6 =	sld [smem:$0x3FAF]  }
0x2c: {  	s7 =	sld [smem:$0x3FB0]  }
0x2d: {  	s3 =	simm.s32 $0x108;
	s8 =	sld [smem:$0x3FB1]  }
0x2e: {  	s3 =	simm.s32 @!p0 $0x1082;
	s9 =	sld [smem:$0x3FB2]  }
0x2f: {  	lr =	sadd.s32 s0, s3;
	s0 =	sld [smem:$0x3FA9]  }
0x30: {  	s3 =	sld [smem:$0x3FAC]  }
0x31: {  	[smem:$0x3FB5] =	sst s10  }
0x32: {  	s10 =	sld [smem:$0x3FB3];
	_ =	sdelay $0x3  }
0x33: {  	p0 =	seq.s32 s10, $0x1;
	s10 =	sld [smem:$0x3FB5];
	_ =	sdelay $0x3  }
0x34: {  	[smem:$0x3FB5] =	sst s10  }
0x35: {  	s10 =	sld [smem:$0x3FB4];
	_ =	sdelay $0x3  }
0x36: {  	p1 =	seq.s32 s10, $0x1;
	s10 =	sld [smem:$0x3FB5];
	_ =	sdelay $0x3  }
0x37: {  	[smem:$0x3FB5] =	sst s10  }
0x38: {  	s10 =	sld [smem:$0x3FB6]  }
0x39: {  	_ = 	snop;
	(pc) =	sbr.ind lr, $3  }
0x3a: {  	_ = 	snop  }
0x3b: {  	_ = 	snop  }
0x3c: {  	p2 =	seq.s32 s10, $0x1;
	s10 =	sld [smem:$0x3FB5]  }
0x3d: {  	_ =	shalt  }
0x3e: {  	_ =	shalt  }
0x3f: {  	_ =	shalt  }
0x40: {  	_ =	shalt  }
0x41: {  	_ =	shalt  }
0x42: {  	_ =	shalt  }
0x43: {  	_ =	shalt  }
0x44: {  	_ =	shalt  }
0x45: {  	_ =	shalt  }
0x46: {  	_ =	shalt  }
0x47: {  	_ =	shalt  }
0x48: {  	_ =	shalt  }
0x49: {  	_ =	shalt  }
0x4a: {  	_ =	shalt  }
0x4b: {  	_ =	shalt  }
0x4c: {  	_ =	shalt  }
0x4d: {  	_ =	shalt  }
0x4e: {  	_ =	shalt  }
0x4f: {  	_ =	shalt  }
0x50: {  	_ =	shalt  }
0x51: {  	_ =	shalt  }
0x52: {  	_ =	shalt  }
0x53: {  	_ =	shalt  }
0x54: {  	_ =	shalt  }
0x55: {  	_ =	shalt  }
0x56: {  	_ =	shalt  }
0x57: {  	_ =	shalt  }
0x58: {  	_ =	shalt  }
0x59: {  	_ =	shalt  }
0x5a: {  	_ =	shalt  }
0x5b: {  	_ =	shalt  }
0x5c: {  	_ =	shalt  }
0x5d: {  	_ =	shalt  }
0x5e: {  	_ =	shalt  }
0x5f: {  	_ =	shalt  }
0x60: {  	_ =	shalt  }
0x61: {  	_ =	shalt  }
0x62: {  	_ =	shalt  }
0x63: {  	_ =	shalt  }
0x64: {  	_ =	shalt  }
0x65: {  	_ =	shalt  }
0x66: {  	_ =	shalt  }
0x67: {  	_ =	shalt  }
0x68: {  	_ =	shalt  }
0x69: {  	_ =	shalt  }
0x6a: {  	_ =	shalt  }
0x6b: {  	_ =	shalt  }
0x6c: {  	_ =	shalt  }
0x6d: {  	_ =	shalt  }
0x6e: {  	_ =	shalt  }
0x6f: {  	_ =	shalt  }
0x70: {  	_ =	shalt  }
0x71: {  	_ =	shalt  }
0x72: {  	_ =	shalt  }
0x73: {  	_ =	shalt  }
0x74: {  	_ =	shalt  }
0x75: {  	_ =	shalt  }
0x76: {  	_ =	shalt  }
0x77: {  	_ =	shalt  }
0x78: {  	_ =	shalt  }
0x79: {  	_ =	shalt  }
0x7a: {  	_ =	shalt  }
0x7b: {  	_ =	shalt  }
0x7c: {  	_ =	shalt  }
0x7d: {  	_ =	shalt  }
0x7e: {  	_ =	shalt  }
0x7f: {  	_ =	shalt  }
0x80: {  	_ =	shalt  }
0x81: {  	_ =	shalt  }
0x82: {  	_ =	shalt  }
0x83: {  	_ =	shalt  }
0x84: {  	_ =	shalt  }
0x85: {  	_ =	shalt  }
0x86: {  	_ =	shalt  }
0x87: {  	_ =	shalt  }
.Lfunc_end0:
.L_simem_size_0:
called_computation_lowered:
.L_overlay_start_0:
0x88: {  	s2 =	sld [smem:$0x3FD9]  }
0x89: {  	s3 =	sld [smem:$0x3FFE];
	_ =	sdelay $0x1  }
0x8a: {  	s1 =	srdreg.scid  }
0x8b: {  	s0 =	sand.u32 $0x1, s1  }
0x8c: {  	s17 =	sshll.u32 s0, $0xA;
	s2 =	sadd.s32 s3, s2  }
0x8d: {  	s2 =	sadd.s32 s2, s17  }
0x8e: {  	[smem:$0x3FC1] =	sst s2  }
0x8f: {  	_ = 	snop  }
0x90: {  	s2 =	sld [smem:$0x3FD0];
	(tm) =	ssettm $0x1  }
0x91: {  	s18 =	sld [smem:$0x3FFB];
	_ =	sdelay $0x3  }
0x92: {  	_ =	strace s18  }
0x93: {  	s3 =	sld [smem:$0x3FFC];
	_ =	sdelay $0x3  }
0x94: {  	_ =	strace s3  }
0x95: {  	s3 =	sld [smem:$0x3FFD];
	_ =	sdelay $0x3  }
0x96: {  	_ =	strace s3  }
0x97: {  	_ =	strace $0x8FFFFFFF  }
0x98: {  	s19 =	sld [smem:$0x3FDB];
	_ =	sdelay $0x1  }
0x99: {  	s4 =	simm.s32 $_scs_section_size  }
0x9a: {  	s5 =	simm.s32 $_size__tile_overlayer_lowered;
	s6 =	simm.s32 $_tile_overlayer_lowered  }
0x9b: {  	s22 =	simm.s32 $0x1BFF;
	s21 =	sshll.u32 s6, $0x1;
	s3 =	sadd.s32 s4, s19  }
0x9c: {  	s7 =	simm.s32 $0x0;
	s20 =	sshll.u32 s5, $0x1;
	s5 =	sadd.s32 s21, s3  }
0x9d: {  	[timem:s7], [sflag:s22] =	dma.local [hbm:s5], s20  }
0x9e: {  	_ =	swait.ge [sflag:s22], s20  }
0x9f: {  	s4 =	ssub.s32 $0x0, s20;
	[sflag:s22] =	ssyncset.done $0x0  }
0xa0: {  	[sflag:s22] =	ssyncadd.s32 s4;
	_ =	sdelay $0x1  }
0xa1: {  	s23 =	simm.s32 $0x1B8B  }
0xa2: {  	_ =	swait.ge [sflag:s23], $0x1  }
0xa3: {  	[sflag:s23] =	ssyncset.done $0x0  }
0xa4: {  	s25 =	simm.s32 $0x1B8E;
	s24 =	sld [smem:$0x3FFE];
	[sflag:s23] =	ssyncadd.s32 $0xFFFFFFFF  }
0xa5: {  	s26 =	simm.s32 $execute0_lowered;
	[smem:$0x3FD2] =	sst s25  }
0xa6: {  	s5 =	sshll.u32 s26, $0x1;
	_ =	strace $0x80000046;
	[dreg:$0x1] =	wrdreg $0xFFFFFFFF  }
0xa7: {  	s28 =	simm.s32 $_size_execute0_lowered;
	s3 =	sadd.s32 s3, s5;
	[dreg:$0x0] =	wrdreg $0x0  }
0xa8: {  	s5 =	sshll.u32 s28, $0x1;
	[dreg:$0x2] =	wrdreg s3  }
0xa9: {  	[dreg:$0x3] =	wrdreg s5  }
0xaa: {  	[dreg:$0x4] =	wrdreg $0xC0  }
0xab: {  	_ =	task [dreg:s7], $0x5FFFF  }
0xac: {  	[dreg:$0x1] =	wrdreg $0xFFFFFFFF  }
0xad: {  	[dreg:$0x0] =	wrdreg $0x60  }
0xae: {  	[dreg:$0x2] =	wrdreg s24  }
0xaf: {  	[dreg:$0x3] =	wrdreg s2  }
0xb0: {  	[dreg:$0x4] =	wrdreg $0x9  }
0xb1: {  	_ =	task.clear_ibuf [dreg:s7], $0x5FFFF;
	_ =	strace $0x90000046  }
0xb2: {  	s29 =	simm.s32 $0x9;
	_ =	strace $0x80000048  }
0xb3: {  	_ =	swait.ge [sflag:s29], $0x1  }
0xb4: {  	[sflag:s29] =	ssyncadd.s32 $0xFFFFFFFF  }
0xb5: {  	_ =	strace $0x90000048  }
0xb6: {  	_ =	sfence  }
0xb7: {  	s30 =	sld [smem:$0x0];
	_ =	sdelay $0x2  }
0xb8: {  	s31 =	sshll.u32 s1, $0xD;
	s1 =	sshrl.u32 s1, $0x2  }
0xb9: {  	s3 =	sand.u32 $0x4000, s31;
	s1 =	sadd.s32 s1, s30  }
0xba: {  	s0 =	sor.u32 s3, s0;
	s1 =	sshll.u32 s1, $0x11  }
0xbb: {  	s0 =	sor.u32 s1, s0  }
0xbc: {  	s0 =	sadd.s32 $0x8F2B, s0  }
0xbd: {  	[sflag:s0] =	ssyncadd.remote.s32 $0x1  }
0xbe: {  	_ =	sfence.sel $0xFFFF  }
0xbf: {  	[dreg:$0x0] =	wrdreg $0xFFFFFFFF;
	(pc) =	sbr.abs _section_cstart, $3  }
0xc0: {  	[dreg:$0x1] =	wrdreg $0xFFFFFFFF  }
0xc1: {  	_ =	task.clear_ibuf [dreg:s7], $0x2FFFF;
	_ =	strace $0x9FFFFFFF  }
0xc2: {  	(tm) =	ssettm $0x7FFFFFFF  }
0xc3: {  	_ =	shalt  }
tec
execute0_lowered:
.L_overlay_start_1:
0x0: {  	(tag) =	ssettag $0x1  }
0x1: {  	s4 =	rddreg [dreg:$0x0]  }
0x2: {  	s5 =	rddreg [dreg:$0x1]  }
0x3: {  	s0 =	rddreg [dreg:$0x2];
	s2 =	simm.s32 $0x0;
	s3 =	srdreg.scid  }
0x4: {  	s1 =	stileid.u32;
	s14 =	simm.s32 $0x2800;
	s15 =	simm.s32 $0x80  }
0x5: {  	s16 =	simm.s32 $0x37A0;
	s17 =	simm.s32 $0x100;
	s18 =	simm.s32 $0x4740  }
0x6: {  	s19 =	simm.s32 $0x1;
	s20 =	simm.s32 $0x56E0;
	s21 =	simm.s32 $0x2  }
0x7: {  	s22 =	simm.s32 $0x3;
	s23 =	simm.s32 $0x4;
	s24 =	simm.s32 $0x2780  }
0x8: {  	s25 =	simm.s32 $0x6680;
	s7 =	sand.u32 $0x1, s3;
	s29 =	sshll.u32 s1, $0x1  }
0x9: {  	s26 =	simm.s32 $0x0;
	s31 =	smul.u32 $0x13880, s1;
	s6 =	sor.u32 s7, s29  }
0xa: {  	[smem:$0x7FF] =	sst s2;
	s3 =	sadd.s32 $0x2400, s4;
	s8 =	smul.u32 $0x4E2, s6  }
0xb: {  	s10 =	sadd.s32 $0xC200, s4;
	s9 =	ssub.s32 $0x2, s7;
	s12 =	smul.u32 $0x500, s6  }
0xc: {  	_ =	strace $0x80000047;
	s11 =	sshrl.u32 s9, $0x1;
	s30 =	smul.u32 $0x9C40, s6  }
0xd: {  	s13 =	smul.u32 $0x9C40, s7;
	s9 =	ssub.s32 s9, s11;
	s8 =	sadd.s32 s8, s4  }
0xe: {  	s4 =	sadd.s32 s5, s12;
	s6 =	smax.u32 s9, $0x1;
	s11 =	sadd.s32 s10, s30  }
0xf: {  	s12 =	sadd.s32 s31, s10;
	s5 =	sadd.s32 $0x144A00, s8;
	s7 =	sadd.s32 $0x9470, s11  }
0x10: {  	s8 =	sadd.s32 $0x9664, s11;
	s9 =	sadd.s32 $0x9858, s11;
	s10 =	sadd.s32 $0x9A4C, s11  }
0x11: {  	v0 =	vimm.f32 $0.0e+00;
	v1 =	vimm.f32 $1.000000000e+00;
	vm0 =	vcmask $0x3F0C;
	s11 =	sadd.s32 s13, s12;
	s12 =	simm.s32 $0x5;
	s13 =	simm.s32 $0x7D  }
.LBB2_1:
0x12: {  	[tilespmem:s2], [sflag:$0x5] =	stream.linear.gather [hbm4b:s4+s2], $0x2800, $0x38;
	[tilespmem:$0x8D90] =	vst v63  }
0x13: {  	_ =	swait.ge [sflag:s12], $0x2800  }
0x14: {  	[sflag:s12] =	ssyncset.done $0x0  }
0x15: {  	[sflag:s12] =	ssyncadd.s32 $0xFFFFD800  }
0x16: {  	[tilespmem:s14], [sflag:$0x1] =	stream.indirect.gather [hbm4b:s3+s13], $0x20, s2, s13, $0xb8;
	[tilespmem:$0x8D90] =	vst v63  }
0x17: {  	_ = 	snop  }
0x18: {  	[tilespmem:s16], [sflag:$0x2] =	stream.indirect.gather [hbm4b:s3+s13], $0x20, s15, s13, $0xb8;
	[tilespmem:$0x8D90] =	vst v63  }
0x19: {  	_ = 	snop  }
0x1a: {  	[tilespmem:s18], [sflag:$0x3] =	stream.indirect.gather [hbm4b:s3+s13], $0x20, s17, s13, $0xb8;
	[tilespmem:$0x8D90] =	vst v63  }
0x1b: {  	_ =	swait.ge [sflag:s19], $0xFA0  }
0x1c: {  	[sflag:s19] =	ssyncset.done $0x0  }
0x1d: {  	s28 =	simm.s32 $0x180;
	[sflag:s19] =	ssyncadd.s32 $0xFFFFF060  }
0x1e: {  	[tilespmem:s20], [sflag:$0x4] =	stream.indirect.gather [hbm4b:s3+s13], $0x20, s28, s13, $0xb8;
	[tilespmem:$0x8D90] =	vst v63  }
0x1f: {  	s29 =	sadd.s32 $0x0, s11  }
0x20: {  	[hbm4b:s29+s2] =	stream.linear.scatter [tilespmem:s14], [sflag:$0x5], $0xFA0, $0x38;
	[tilespmem:$0x8D90] =	vst v63  }
0x21: {  	_ =	swait.ge [sflag:s12], $0xFA0  }
0x22: {  	[sflag:s12] =	ssyncset.done $0x0  }
0x23: {  	[sflag:s12] =	ssyncadd.s32 $0xFFFFF060  }
0x24: {  	_ =	swait.ge [sflag:s21], $0xFA0  }
0x25: {  	[sflag:s21] =	ssyncset.done $0x0  }
0x26: {  	s30 =	simm.s32 $0x200;
	[sflag:s21] =	ssyncadd.s32 $0xFFFFF060  }
0x27: {  	[tilespmem:s14], [sflag:$0x1] =	stream.indirect.gather [hbm4b:s3+s13], $0x20, s30, s13, $0xb8;
	[tilespmem:$0x8D90] =	vst v63  }
0x28: {  	s31 =	sadd.s32 $0x1F4, s29  }
0x29: {  	[hbm4b:s31+s2] =	stream.linear.scatter [tilespmem:s16], [sflag:$0x5], $0xFA0, $0x38;
	[tilespmem:$0x8D90] =	vst v63  }
0x2a: {  	_ =	swait.ge [sflag:s12], $0xFA0  }
0x2b: {  	[sflag:s12] =	ssyncset.done $0x0  }
0x2c: {  	[sflag:s12] =	ssyncadd.s32 $0xFFFFF060  }
0x2d: {  	_ =	swait.ge [sflag:s22], $0xFA0  }
0x2e: {  	[sflag:s22] =	ssyncset.done $0x0  }
0x2f: {  	s31 =	simm.s32 $0x280;
	[sflag:s22] =	ssyncadd.s32 $0xFFFFF060  }
0x30: {  	[tilespmem:s16], [sflag:$0x2] =	stream.indirect.gather [hbm4b:s3+s13], $0x20, s31, s13, $0xb8;
	[tilespmem:$0x8D90] =	vst v63  }
0x31: {  	s31 =	sadd.s32 $0x3E8, s29  }
0x32: {  	[hbm4b:s31+s2] =	stream.linear.scatter [tilespmem:s18], [sflag:$0x5], $0xFA0, $0x38;
	[tilespmem:$0x8D90] =	vst v63  }
0x33: {  	_ =	swait.ge [sflag:s12], $0xFA0  }
0x34: {  	[sflag:s12] =	ssyncset.done $0x0  }
0x35: {  	[sflag:s12] =	ssyncadd.s32 $0xFFFFF060  }
0x36: {  	_ =	swait.ge [sflag:s23], $0xFA0  }
0x37: {  	[sflag:s23] =	ssyncset.done $0x0  }
0x38: {  	s31 =	simm.s32 $0x300;
	[sflag:s23] =	ssyncadd.s32 $0xFFFFF060  }
0x39: {  	[tilespmem:s18], [sflag:$0x3] =	stream.indirect.gather [hbm4b:s3+s13], $0x20, s31, s13, $0xb8;
	[tilespmem:$0x8D90] =	vst v63  }
0x3a: {  	s29 =	sadd.s32 $0x5DC, s29  }
0x3b: {  	[hbm4b:s29+s2] =	stream.linear.scatter [tilespmem:s20], [sflag:$0x5], $0xFA0, $0x38;
	[tilespmem:$0x8D90] =	vst v63  }
0x3c: {  	_ =	swait.ge [sflag:s12], $0xFA0  }
0x3d: {  	s29 =	simm.s32 $0x7D0;
	[sflag:s12] =	ssyncset.done $0x0  }
.LBB2_2:
0x3e: {  	p0 =	sne.s32 s29, $0x8CA0;
	[sflag:s12] =	ssyncadd.s32 $0xFFFFF060;
	s28 =	sadd.s32 $0x200, s28  }
0x3f: {  	s30 =	smov.u32 s29;
	s29 =	sadd.s32 $0x7D0, s29  }
0x40: {  	_ =	swait.ge [sflag:s19], $0xFA0  }
0x41: {  	[sflag:s19] =	ssyncset.done $0x0  }
0x42: {  	[sflag:s19] =	ssyncadd.s32 $0xFFFFF060  }
0x43: {  	[tilespmem:s20], [sflag:$0x4] =	stream.indirect.gather [hbm4b:s3+s13], $0x20, s28, s13, $0xb8;
	[tilespmem:$0x8D90] =	vst v63  }
0x44: {  	s30 =	sadd.s32 s30, s11  }
0x45: {  	[hbm4b:s30+s2] =	stream.linear.scatter [tilespmem:s14], [sflag:$0x5], $0xFA0, $0x38;
	[tilespmem:$0x8D90] =	vst v63  }
0x46: {  	_ =	swait.ge [sflag:s12], $0xFA0  }
0x47: {  	[sflag:s12] =	ssyncset.done $0x0  }
0x48: {  	[sflag:s12] =	ssyncadd.s32 $0xFFFFF060  }
0x49: {  	_ =	swait.ge [sflag:s21], $0xFA0  }
0x4a: {  	[sflag:s21] =	ssyncset.done $0x0  }
0x4b: {  	s31 =	sadd.s32 $0x80, s28;
	[sflag:s21] =	ssyncadd.s32 $0xFFFFF060  }
0x4c: {  	[tilespmem:s14], [sflag:$0x1] =	stream.indirect.gather [hbm4b:s3+s13], $0x20, s31, s13, $0xb8;
	[tilespmem:$0x8D90] =	vst v63  }
0x4d: {  	s31 =	sadd.s32 $0x1F4, s30  }
0x4e: {  	[hbm4b:s31+s2] =	stream.linear.scatter [tilespmem:s16], [sflag:$0x5], $0xFA0, $0x38;
	[tilespmem:$0x8D90] =	vst v63  }
0x4f: {  	_ =	swait.ge [sflag:s12], $0xFA0  }
0x50: {  	[sflag:s12] =	ssyncset.done $0x0  }
0x51: {  	[sflag:s12] =	ssyncadd.s32 $0xFFFFF060  }
0x52: {  	_ =	swait.ge [sflag:s22], $0xFA0  }
0x53: {  	[sflag:s22] =	ssyncset.done $0x0  }
0x54: {  	s31 =	sadd.s32 $0x100, s28;
	[sflag:s22] =	ssyncadd.s32 $0xFFFFF060  }
0x55: {  	[tilespmem:s16], [sflag:$0x2] =	stream.indirect.gather [hbm4b:s3+s13], $0x20, s31, s13, $0xb8;
	[tilespmem:$0x8D90] =	vst v63  }
0x56: {  	s31 =	sadd.s32 $0x3E8, s30  }
0x57: {  	[hbm4b:s31+s2] =	stream.linear.scatter [tilespmem:s18], [sflag:$0x5], $0xFA0, $0x38;
	[tilespmem:$0x8D90] =	vst v63  }
0x58: {  	_ =	swait.ge [sflag:s12], $0xFA0  }
0x59: {  	[sflag:s12] =	ssyncset.done $0x0  }
0x5a: {  	[sflag:s12] =	ssyncadd.s32 $0xFFFFF060  }
0x5b: {  	_ =	swait.ge [sflag:s23], $0xFA0  }
0x5c: {  	[sflag:s23] =	ssyncset.done $0x0  }
0x5d: {  	s31 =	sadd.s32 $0x180, s28;
	[sflag:s23] =	ssyncadd.s32 $0xFFFFF060  }
0x5e: {  	[tilespmem:s18], [sflag:$0x3] =	stream.indirect.gather [hbm4b:s3+s13], $0x20, s31, s13, $0xb8;
	[tilespmem:$0x8D90] =	vst v63  }
.Ltmp0:
0x5f: {  	_ = 	snop;
	(pc) =	sbr.rel @p0 .LBB2_2-.Ltmp0, $4  }
0x60: {  	s30 =	sadd.s32 $0x5DC, s30  }
0x61: {  	[hbm4b:s30+s2] =	stream.linear.scatter [tilespmem:s20], [sflag:$0x5], $0xFA0, $0x38;
	[tilespmem:$0x8D90] =	vst v63  }
0x62: {  	_ =	swait.ge [sflag:s12], $0xFA0  }
0x63: {  	[sflag:s12] =	ssyncset.done $0x0  }
0x64: {  	[sflag:s12] =	ssyncadd.s32 $0xFFFFF060  }
0x65: {  	_ =	swait.ge [sflag:s19], $0xFA0  }
0x66: {  	[sflag:s19] =	ssyncset.done $0x0  }
0x67: {  	[sflag:s19] =	ssyncadd.s32 $0xFFFFF060  }
0x68: {  	[tilespmem:s20], [sflag:$0x4] =	stream.indirect.gather [hbm4b:s3+s13], $0x20, s24, s13, $0xb8;
	[tilespmem:$0x8D90] =	vst v63  }
0x69: {  	s28 =	simm.s32 $0x0  }
0x6a: {  	[hbm4b:s7+s28] =	stream.linear.scatter [tilespmem:s14], [sflag:$0x5], $0xFA0, $0x38;
	[tilespmem:$0x8D90] =	vst v63  }
0x6b: {  	_ =	swait.ge [sflag:s12], $0xFA0  }
0x6c: {  	[sflag:s12] =	ssyncset.done $0x0  }
0x6d: {  	[sflag:s12] =	ssyncadd.s32 $0xFFFFF060  }
0x6e: {  	_ =	swait.ge [sflag:s21], $0xFA0  }
0x6f: {  	[sflag:s21] =	ssyncset.done $0x0  }
0x70: {  	[sflag:s21] =	ssyncadd.s32 $0xFFFFF060  }
0x71: {  	[hbm4b:s8+s28] =	stream.linear.scatter [tilespmem:s16], [sflag:$0x5], $0xFA0, $0x38;
	[tilespmem:$0x8D90] =	vst v63  }
0x72: {  	_ =	swait.ge [sflag:s12], $0xFA0  }
0x73: {  	[sflag:s12] =	ssyncset.done $0x0  }
0x74: {  	[sflag:s12] =	ssyncadd.s32 $0xFFFFF060  }
0x75: {  	_ =	swait.ge [sflag:s22], $0xFA0  }
0x76: {  	[sflag:s22] =	ssyncset.done $0x0  }
0x77: {  	[sflag:s22] =	ssyncadd.s32 $0xFFFFF060  }
0x78: {  	[hbm4b:s9+s28] =	stream.linear.scatter [tilespmem:s18], [sflag:$0x5], $0xFA0, $0x38;
	[tilespmem:$0x8D90] =	vst v63  }
0x79: {  	_ =	swait.ge [sflag:s12], $0xFA0  }
0x7a: {  	[sflag:s12] =	ssyncset.done $0x0  }
0x7b: {  	[sflag:s12] =	ssyncadd.s32 $0xFFFFF060  }
0x7c: {  	_ =	swait.ge [sflag:s23], $0xFA0  }
0x7d: {  	[sflag:s23] =	ssyncset.done $0x0  }
0x7e: {  	[sflag:s23] =	ssyncadd.s32 $0xFFFFF060  }
0x7f: {  	[hbm4b:s10+s28] =	stream.linear.scatter [tilespmem:s20], [sflag:$0x5], $0xFA0, $0x38;
	[tilespmem:$0x8D90] =	vst v63  }
0x80: {  	_ =	swait.ge [sflag:s12], $0xFA0  }
0x81: {  	[sflag:s12] =	ssyncset.done $0x0  }
0x82: {  	s29 =	simm.s32 $0x40;
	s30 =	simm.s32 $0x0;
	[sflag:s12] =	ssyncadd.s32 $0xFFFFF060  }
.LBB2_4:
0x83: {  	p0 =	sne.s32 s29, $0x9C00;
	[tilespmem:s30+$0x6680] =	vst v0;
	s30 =	smov.u32 s29;
	s29 =	sadd.s32 $0x40, s29  }
.Ltmp1:
0x84: {  	(pc) =	sbr.rel @p0 .LBB2_4-.Ltmp1, $2  }
0x85: {  	_ =	sdelay $0x2  }
0x86: {  	s30 =	sshra.s32 s30, $0x2  }
0x87: {  	[tilespmem:s30+$0x6680] =	vst v0  }
.LBB2_6:
0x88: {  	s29 =	sshra.s32 s28, $0x2  }
0x89: {  	v2 =	vld [tilespmem:s29+$0x0];
	_ =	sdelay $0x7  }
0x8a: {  	[tilespmem:v2+s25+$0x0] =	vst.idx.add.f32.msk $0xffff, v1  }
0x8b: {  	v2 =	vld [tilespmem:s29+$0x10];
	_ =	sdelay $0x7  }
0x8c: {  	[tilespmem:v2+s25+$0x0] =	vst.idx.add.f32.msk $0xffff, v1  }
0x8d: {  	v2 =	vld [tilespmem:s29+$0x20];
	_ =	sdelay $0x7  }
0x8e: {  	[tilespmem:v2+s25+$0x0] =	vst.idx.add.f32.msk $0xffff, v1  }
0x8f: {  	v2 =	vld [tilespmem:s29+$0x30];
	_ =	sdelay $0x7  }
0x90: {  	[tilespmem:v2+s25+$0x0] =	vst.idx.add.f32.msk $0xffff, v1  }
0x91: {  	v2 =	vld [tilespmem:s29+$0x40];
	_ =	sdelay $0x7  }
0x92: {  	[tilespmem:v2+s25+$0x0] =	vst.idx.add.f32.msk $0xffff, v1  }
0x93: {  	v2 =	vld [tilespmem:s29+$0x50];
	_ =	sdelay $0x7  }
0x94: {  	[tilespmem:v2+s25+$0x0] =	vst.idx.add.f32.msk $0xffff, v1  }
0x95: {  	v2 =	vld [tilespmem:s29+$0x60];
	_ =	sdelay $0x7  }
0x96: {  	[tilespmem:v2+s25+$0x0] =	vst.idx.add.f32.msk $0xffff, v1  }
0x97: {  	v2 =	vld [tilespmem:s29+$0x6D];
	_ =	sdelay $0x2  }
0x98: {  	p0 =	sne.s32 s28, $0x9E00  }
.Ltmp2:
0x99: {  	_ = 	snop;
	(pc) =	sbr.rel @p0 .LBB2_6-.Ltmp2, $2  }
0x9a: {  	_ =	sdelay $0x2  }
0x9b: {  	s28 =	sadd.s32 $0x200, s28;
	[tilespmem:v2+s25+$0x0] =	vst.idx.add.f32.msk vm0, v1  }
0x9c: {  	s26 =	sadd.s32 $0x1, s26  }
0x9d: {  	p0 =	sne.s32 s26, s6  }
.Ltmp3:
0x9e: {  	_ = 	snop;
	(pc) =	sbr.rel @p0 .LBB2_1-.Ltmp3, $4  }
0x9f: {  	[hbm4b:s5+s2] =	stream.linear.scatter [tilespmem:s25], [sflag:$0x5], $0x2710, $0x38;
	[tilespmem:$0x8D90] =	vst v63  }
0xa0: {  	_ =	swait.ge [sflag:s12], $0x2710  }
0xa1: {  	[sflag:s12] =	ssyncset.done $0x0  }
0xa2: {  	[sflag:s12] =	ssyncadd.s32 $0xFFFFD8F0  }
0xa3: {  	_ =	sfence.sel $0x180000  }
0xa4: {  	[bflag:$0x0] =	sbarrier.arrive $0xFFFF  }
0xa5: {  	p0 =	sne.s32 s1, $0x0;
	_ =	strace $0x90000047  }
0xa6: {  	s0 =	sadd.s32 @!p0 $0x100000, s0;
	[bflag:$0x2] =	sbarrier.arrive $0xFFFF  }
0xa7: {  	[sflag:s0] =	ssyncadd.tile.s32 @!p0 $0x1;
	_ =	shalt  }
.Lfunc_end2:
_tile_overlayer_lowered:
.L_overlay_start_2:
0xa8: {  	(tag) =	ssettag $0x2  }
0xa9: {  	s0 =	rddreg [dreg:$0x0];
	s2 =	stileid.u32  }
0xaa: {  	s1 =	rddreg [dreg:$0x1];
	p0 =	sne.s32 s2, $0x0  }
0xab: {  	s3 =	rddreg [dreg:$0x2];
	[bflag:$0x3] =	sbarrier.arrive $0xFFFF;
	s2 =	simm.s32 @!p0 $0x1C05  }
0xac: {  	[timem:s3], [sflag:s2] =	dma.local @!p0 [hbm:s0], s1  }
0xad: {  	s0 =	simm.s32 @!p0 $0x5  }
0xae: {  	_ =	swait.ge @!p0 [sflag:s0], s1  }
0xaf: {  	s1 =	ssub.s32 @!p0 $0x0, s1;
	[sflag:s0] =	ssyncset.done @!p0 $0x0  }
0xb0: {  	[sflag:s0] =	ssyncadd.s32 @!p0 s1  }
0xb1: {  	[bflag:$0x3] =	sbarrier.arrive $0xFFFF  }
0xb2: {  	_ =	shalt  }

</sc_bundles>
